<compile_context>
chip_gen: v7x
topology: tpu7x:2x2x1
jax: 0.10.2.dev20260603
libtpu: 0.0.44.dev20260713+nightly
codegen_flags: <defaults>
</compile_context>

<pallas_src>
import functools

import jax
import jax.numpy as jnp
from jax import lax
from jax.experimental import pallas as pl
from jax.experimental.pallas import tpu as pltpu
from jax.experimental.pallas import tpu_sc as plsc

_N = 10000
_NPAD = 10240
_E = 320000
_D = 128
_NC, _NS, _L = 2, 16, 16
_NW = _NC * _NS
_EPT = _E // _NW
_CH = 80
_NCHUNK = _EPT // _CH
_RPT = _NPAD // _NS
_R = 256
_G = _NPAD // _R


_IBLK = 25


def _segsum_body(with_counts):
  def body(*refs):
    if with_counts:
      (y_hbm, src_hbm, dst_hbm, out_hbm, cnt_hbm,
       src_v, dst_v, rows_v, ones_v, acc_sh, cnt_sh, sem) = refs
    else:
      (y_hbm, src_hbm, dst_hbm, out_hbm,
       src_v, dst_v, rows_v, acc_sh, sem) = refs
    c = lax.axis_index("c")
    s = lax.axis_index("s")
    wid = c * _NS + s

    zf = jnp.zeros((_L,), jnp.float32)

    @pl.loop(0, _CH)
    def _(i):
      for j in range(_D // _L):
        rows_v[i, pl.ds(j * _L, _L)] = zf

    base = s * _RPT
    for k in range(_RPT // _CH):
      pltpu.sync_copy(rows_v, acc_sh.at[pl.ds(base + k * _CH, _CH)])

    if with_counts:
      @pl.loop(0, _CH)
      def _(i):
        ones_v[i, :] = zf

      for k in range(_RPT // _CH):
        pltpu.sync_copy(ones_v, cnt_sh.at[pl.ds(base + k * _CH, _CH)])

      of = jnp.ones((_L,), jnp.float32)

      @pl.loop(0, _CH)
      def _(i):
        ones_v[i, :] = of

    plsc.subcore_barrier()

    @pl.loop(0, _NCHUNK // _IBLK)
    def _(blk):
      pltpu.sync_copy(src_hbm.at[wid, pl.ds(blk * _IBLK, _IBLK)], src_v)
      pltpu.sync_copy(dst_hbm.at[wid, pl.ds(blk * _IBLK, _IBLK)], dst_v)

      @pl.loop(0, _IBLK)
      def _(g):
        pltpu.async_copy(y_hbm.at[src_v.at[g]], rows_v, sem).wait()
        pltpu.sync_copy(rows_v, acc_sh.at[dst_v.at[g]], add=True)
        if with_counts:
          pltpu.sync_copy(ones_v, cnt_sh.at[dst_v.at[g]], add=True)

    plsc.subcore_barrier()

    pltpu.sync_copy(acc_sh.at[pl.ds(base, _RPT)],
                    out_hbm.at[c, pl.ds(base, _RPT)])
    if with_counts:
      pltpu.sync_copy(cnt_sh.at[pl.ds(base, _RPT)],
                      cnt_hbm.at[c, pl.ds(base, _RPT)])
  return body


def _make_segsum(with_counts):
  mesh = plsc.VectorSubcoreMesh(core_axis_name="c", subcore_axis_name="s",
                                num_cores=_NC, num_subcores=_NS)
  out_type = [jax.ShapeDtypeStruct((_NC, _NPAD, _D), jnp.float32)]
  scratch = [
      pltpu.VMEM((_IBLK, _CH), jnp.int32),
      pltpu.VMEM((_IBLK, _CH), jnp.int32),
      pltpu.VMEM((_CH, _D), jnp.float32),
  ]
  if with_counts:
    out_type.append(jax.ShapeDtypeStruct((_NC, _NPAD, _L), jnp.float32))
    scratch.append(pltpu.VMEM((_CH, _L), jnp.float32))
  scratch.append(pltpu.VMEM_SHARED((_NPAD, _D), jnp.float32))
  if with_counts:
    scratch.append(pltpu.VMEM_SHARED((_NPAD, _L), jnp.float32))
  scratch.append(pltpu.SemaphoreType.DMA)
  return pl.kernel(_segsum_body(with_counts), out_type=out_type,
                   mesh=mesh, scratch_types=scratch,
                   compiler_params=pltpu.CompilerParams(
                       use_tc_tiling_on_sc=False))


_seg_cnt = _make_segsum(True)
_seg = _make_segsum(False)


def _pre_body(x_ref, wl_ref, wr_ref, b_ref, y_ref, r_ref):
  xb = x_ref[...]
  y_ref[...] = jnp.dot(xb, wl_ref[...], preferred_element_type=jnp.float32)
  r_ref[...] = (jnp.dot(xb, wr_ref[...], preferred_element_type=jnp.float32)
                + b_ref[...])


_pre = pl.pallas_call(
    _pre_body,
    grid=(_G,),
    in_specs=[
        pl.BlockSpec((_R, _D), lambda i: (i, 0)),
        pl.BlockSpec((_D, _D), lambda i: (0, 0)),
        pl.BlockSpec((_D, _D), lambda i: (0, 0)),
        pl.BlockSpec((1, _D), lambda i: (0, 0)),
    ],
    out_specs=[pl.BlockSpec((_R, _D), lambda i: (i, 0))] * 2,
    out_shape=[jax.ShapeDtypeStruct((_NPAD, _D), jnp.float32)] * 2,
)


def _mid_body(p_ref, cnt_ref, r1_ref, wl_ref, wr_ref, b_ref,
              y_ref, r_ref, inv_ref):
  cnt = cnt_ref[...]
  ctot = cnt[0, 0] + cnt[1, 0]
  inv = 1.0 / jnp.maximum(ctot, 1.0)
  inv_ref[...] = inv[None]
  p = p_ref[...]
  m = (p[0, 0] + p[1, 0]) * inv[:, :1]
  h = jnp.maximum(m + r1_ref[...], 0.0)
  y_ref[...] = jnp.dot(h, wl_ref[...], preferred_element_type=jnp.float32)
  r_ref[...] = (jnp.dot(h, wr_ref[...], preferred_element_type=jnp.float32)
                + b_ref[...])


_mid = pl.pallas_call(
    _mid_body,
    grid=(_G,),
    in_specs=[
        pl.BlockSpec((_NC, 1, _R, _D), lambda i: (0, i, 0, 0)),
        pl.BlockSpec((_NC, 1, _R, _L), lambda i: (0, i, 0, 0)),
        pl.BlockSpec((_R, _D), lambda i: (i, 0)),
        pl.BlockSpec((_D, _D), lambda i: (0, 0)),
        pl.BlockSpec((_D, _D), lambda i: (0, 0)),
        pl.BlockSpec((1, _D), lambda i: (0, 0)),
    ],
    out_specs=[
        pl.BlockSpec((_R, _D), lambda i: (i, 0)),
        pl.BlockSpec((_R, _D), lambda i: (i, 0)),
        pl.BlockSpec((1, _R, _L), lambda i: (i, 0, 0)),
    ],
    out_shape=[
        jax.ShapeDtypeStruct((_NPAD, _D), jnp.float32),
        jax.ShapeDtypeStruct((_NPAD, _D), jnp.float32),
        jax.ShapeDtypeStruct((_G, _R, _L), jnp.float32),
    ],
)


def _post_body(p_ref, inv_ref, r2_ref, o_ref):
  p = p_ref[...]
  inv = inv_ref[...][0]
  o_ref[...] = (p[0, 0] + p[1, 0]) * inv[:, :1] + r2_ref[...]


_post = pl.pallas_call(
    _post_body,
    grid=(_G,),
    in_specs=[
        pl.BlockSpec((_NC, 1, _R, _D), lambda i: (0, i, 0, 0)),
        pl.BlockSpec((1, _R, _L), lambda i: (i, 0, 0)),
        pl.BlockSpec((_R, _D), lambda i: (i, 0)),
    ],
    out_specs=pl.BlockSpec((_R, _D), lambda i: (i, 0)),
    out_shape=jax.ShapeDtypeStruct((_NPAD, _D), jnp.float32),
)


def kernel(x, edge_index, W1_l, W1_r, b1, W2_l, W2_r, b2):
  xp = jnp.zeros((_NPAD, _D), jnp.float32).at[:_N].set(x)
  src = edge_index[0].reshape(_NW, _NCHUNK, _CH)
  dst = edge_index[1].reshape(_NW, _NCHUNK, _CH)
  y1, r1 = _pre(xp, W1_l.T, W1_r.T, b1.reshape(1, _D))
  p, cnt = _seg_cnt(y1, src, dst)
  y2, r2, inv = _mid(p.reshape(_NC, _G, _R, _D), cnt.reshape(_NC, _G, _R, _L),
                     r1, W2_l.T, W2_r.T, b2.reshape(1, _D))
  q = _seg(y2, src, dst)
  if isinstance(q, (list, tuple)):
    q = q[0]
  out = _post(q.reshape(_NC, _G, _R, _D), inv, r2)
  return out[:_N]

# --- scband reference (transcript-rebuilt; emitter-appended) ---
"""Pipeline reference for scband-sageencoder-16174846836858 (READ-ONLY COPY).

The authoritative reference and input builder live on the scoring server;
editing this copy changes nothing except your own understanding.
"""

import jax, jax.numpy as jnp
import numpy as np

N = 10000
E = 320000
D = 128
H = 128
O = 128


def setup_inputs(seed: int = 0) -> dict:
    key = jax.random.key(seed)
    ks = jax.random.split(key, 8)
    x = jax.random.normal(ks[0], (N, D), dtype=jnp.float32)
    edge_index = jax.random.randint(ks[1], (2, E), 0, N, dtype=jnp.int32)
    # SAGEConv params: lin_l (applied to aggregated neighbors, with bias),
    # lin_r (applied to root/self features, no bias). Two layers.
    W1_l = jax.random.normal(ks[2], (H, D), dtype=jnp.float32) * (1.0 / np.sqrt(D))
    W1_r = jax.random.normal(ks[3], (H, D), dtype=jnp.float32) * (1.0 / np.sqrt(D))
    b1 = jnp.zeros((H,), dtype=jnp.float32)
    W2_l = jax.random.normal(ks[4], (O, H), dtype=jnp.float32) * (1.0 / np.sqrt(H))
    W2_r = jax.random.normal(ks[5], (O, H), dtype=jnp.float32) * (1.0 / np.sqrt(H))
    b2 = jnp.zeros((O,), dtype=jnp.float32)
    return {"x": x, "edge_index": edge_index, "W1_l": W1_l, "W1_r": W1_r, "b1": b1,
            "W2_l": W2_l, "W2_r": W2_r, "b2": b2}


def _sage_conv(x, edge_index, W_l, W_r, b):
    # PyG SAGEConv with mean aggregation:
    # out = lin_l(mean_{j in N(i)} x_j) + lin_r(x_i)
    src = edge_index[0]
    dst = edge_index[1]
    n = x.shape[0]
    msgs = jnp.take(x, src, axis=0)                      # gather [E, d]
    summed = jax.ops.segment_sum(msgs, dst, num_segments=n)  # scatter-add [N, d]
    counts = jax.ops.segment_sum(jnp.ones((src.shape[0],), dtype=x.dtype), dst, num_segments=n)
    mean = summed / jnp.clip(counts, 1.0)[:, None]
    return mean @ W_l.T + x @ W_r.T + b


def reference(x, edge_index, W1_l, W1_r, b1, W2_l, W2_r, b2):
    h = _sage_conv(x, edge_index, W1_l, W1_r, b1)
    h = jax.nn.relu(h)
    # nn.Dropout is identity in eval mode
    out = _sage_conv(h, edge_index, W2_l, W2_r, b2)
    return out

if __name__ == "__main__":
    import jax
    _d = setup_inputs()
    print(jax.jit(kernel)(*tuple(_d.values())))

</pallas_src>

<mosaic_0001>
#map = affine_map<(d0, d1) -> (0, 0)>
#map1 = affine_map<(d0, d1) -> (0, 0, 0)>
module attributes {stable_mosaic.version = 14 : i64} {
  func.func @body(%arg0: i32, %arg1: i32, %arg2: memref<10240x128xf32, #tpu.memory_space<hbm>>, %arg3: memref<32x125x80xi32, #tpu.memory_space<hbm>>, %arg4: memref<32x125x80xi32, #tpu.memory_space<hbm>>, %arg5: memref<2x10240x128xf32, #tpu.memory_space<hbm>>, %arg6: memref<2x10240x16xf32, #tpu.memory_space<hbm>>, %arg7: memref<25x80xi32, #tpu.memory_space<vmem>>, %arg8: memref<25x80xi32, #tpu.memory_space<vmem>>, %arg9: memref<80x128xf32, #tpu.memory_space<vmem>>, %arg10: memref<80x16xf32, #tpu.memory_space<vmem>>, %arg11: memref<10240x128xf32, #tpu.memory_space<vmem_shared>>, %arg12: memref<10240x16xf32, #tpu.memory_space<vmem_shared>>, %arg13: memref<!tpu.dma_semaphore, #tpu.memory_space<semaphore_mem>>) attributes {dimension_semantics = [#tpu.dimension_semantics<core_parallel>, #tpu.dimension_semantics<subcore_parallel>], iteration_bounds = array<i64: 2, 16>, scalar_prefetch = 0 : i64, scratch_operands = 7 : i64, tpu.core_type = #tpu.core_type<sc_vector_subcore>, window_params = [{transform_indices = #map}, {transform_indices = #map1}, {transform_indices = #map1}, {transform_indices = #map1}, {transform_indices = #map1}]} {
    %mul3A = arith.constant 16 : i32
    %mul3A_0 = arith.muli %arg0, %mul3A : i32
    %add3A = arith.addi %mul3A_0, %arg1 : i32
    %broadcast_in_dim3A = arith.constant 0.000000e+00 : f32
    %broadcast_in_dim3A_1 = vector.broadcast %broadcast_in_dim3A : f32 to vector<16xf32>
    %scan3A = arith.constant 0 : i32
    %scan3A_2 = arith.constant 80 : i32
    %scan3A_3 = arith.addi %scan3A, %scan3A_2 : i32
    %scan3A_4 = arith.constant 1 : i32
    scf.for %scan3A_58 = %scan3A to %scan3A_3 step %scan3A_4  : i32 {
      %mul3A_59 = arith.constant 1 : i32
      %mul3A_60 = arith.muli %scan3A_58, %mul3A_59 : i32
      %add3A_61 = arith.constant 0 : i32
      %add3A_62 = arith.addi %add3A_61, %mul3A_60 : i32
      %swap3A = arith.index_cast %add3A_62 : i32 to index
      %swap3A_63 = arith.constant 0 : index
      %swap3A_64 = tpu.vector_load %arg9[%swap3A, %swap3A_63] {strides = array<i32>} : memref<80x128xf32, #tpu.memory_space<vmem>>, vector<1x16xf32>,
      %swap3A_65 = vector.shape_cast %swap3A_64 : vector<1x16xf32> to vector<16xf32>
      %swap3A_66 = vector.shape_cast %broadcast_in_dim3A_1 : vector<16xf32> to vector<1x16xf32>
      tpu.vector_store %arg9[%swap3A, %swap3A_63], %swap3A_66 {strides = array<i32>} : memref<80x128xf32, #tpu.memory_space<vmem>>, vector<1x16xf32>,
      %swap3A_67 = arith.index_cast %add3A_62 : i32 to index
      %swap3A_68 = arith.constant 16 : index
      %swap3A_69 = tpu.vector_load %arg9[%swap3A_67, %swap3A_68] {strides = array<i32>} : memref<80x128xf32, #tpu.memory_space<vmem>>, vector<1x16xf32>,
      %swap3A_70 = vector.shape_cast %swap3A_69 : vector<1x16xf32> to vector<16xf32>
      %swap3A_71 = vector.shape_cast %broadcast_in_dim3A_1 : vector<16xf32> to vector<1x16xf32>
      tpu.vector_store %arg9[%swap3A_67, %swap3A_68], %swap3A_71 {strides = array<i32>} : memref<80x128xf32, #tpu.memory_space<vmem>>, vector<1x16xf32>,
      %swap3A_72 = arith.index_cast %add3A_62 : i32 to index
      %swap3A_73 = arith.constant 32 : index
      %swap3A_74 = tpu.vector_load %arg9[%swap3A_72, %swap3A_73] {strides = array<i32>} : memref<80x128xf32, #tpu.memory_space<vmem>>, vector<1x16xf32>,
      %swap3A_75 = vector.shape_cast %swap3A_74 : vector<1x16xf32> to vector<16xf32>
      %swap3A_76 = vector.shape_cast %broadcast_in_dim3A_1 : vector<16xf32> to vector<1x16xf32>
      tpu.vector_store %arg9[%swap3A_72, %swap3A_73], %swap3A_76 {strides = array<i32>} : memref<80x128xf32, #tpu.memory_space<vmem>>, vector<1x16xf32>,
      %swap3A_77 = arith.index_cast %add3A_62 : i32 to index
      %swap3A_78 = arith.constant 48 : index
      %swap3A_79 = tpu.vector_load %arg9[%swap3A_77, %swap3A_78] {strides = array<i32>} : memref<80x128xf32, #tpu.memory_space<vmem>>, vector<1x16xf32>,
      %swap3A_80 = vector.shape_cast %swap3A_79 : vector<1x16xf32> to vector<16xf32>
      %swap3A_81 = vector.shape_cast %broadcast_in_dim3A_1 : vector<16xf32> to vector<1x16xf32>
      tpu.vector_store %arg9[%swap3A_77, %swap3A_78], %swap3A_81 {strides = array<i32>} : memref<80x128xf32, #tpu.memory_space<vmem>>, vector<1x16xf32>,
      %swap3A_82 = arith.index_cast %add3A_62 : i32 to index
      %swap3A_83 = arith.constant 64 : index
      %swap3A_84 = tpu.vector_load %arg9[%swap3A_82, %swap3A_83] {strides = array<i32>} : memref<80x128xf32, #tpu.memory_space<vmem>>, vector<1x16xf32>,
      %swap3A_85 = vector.shape_cast %swap3A_84 : vector<1x16xf32> to vector<16xf32>
      %swap3A_86 = vector.shape_cast %broadcast_in_dim3A_1 : vector<16xf32> to vector<1x16xf32>
      tpu.vector_store %arg9[%swap3A_82, %swap3A_83], %swap3A_86 {strides = array<i32>} : memref<80x128xf32, #tpu.memory_space<vmem>>, vector<1x16xf32>,
      %swap3A_87 = arith.index_cast %add3A_62 : i32 to index
      %swap3A_88 = arith.constant 80 : index
      %swap3A_89 = tpu.vector_load %arg9[%swap3A_87, %swap3A_88] {strides = array<i32>} : memref<80x128xf32, #tpu.memory_space<vmem>>, vector<1x16xf32>,
      %swap3A_90 = vector.shape_cast %swap3A_89 : vector<1x16xf32> to vector<16xf32>
      %swap3A_91 = vector.shape_cast %broadcast_in_dim3A_1 : vector<16xf32> to vector<1x16xf32>
      tpu.vector_store %arg9[%swap3A_87, %swap3A_88], %swap3A_91 {strides = array<i32>} : memref<80x128xf32, #tpu.memory_space<vmem>>, vector<1x16xf32>,
      %swap3A_92 = arith.index_cast %add3A_62 : i32 to index
      %swap3A_93 = arith.constant 96 : index
      %swap3A_94 = tpu.vector_load %arg9[%swap3A_92, %swap3A_93] {strides = array<i32>} : memref<80x128xf32, #tpu.memory_space<vmem>>, vector<1x16xf32>,
      %swap3A_95 = vector.shape_cast %swap3A_94 : vector<1x16xf32> to vector<16xf32>
      %swap3A_96 = vector.shape_cast %broadcast_in_dim3A_1 : vector<16xf32> to vector<1x16xf32>
      tpu.vector_store %arg9[%swap3A_92, %swap3A_93], %swap3A_96 {strides = array<i32>} : memref<80x128xf32, #tpu.memory_space<vmem>>, vector<1x16xf32>,
      %swap3A_97 = arith.index_cast %add3A_62 : i32 to index
      %swap3A_98 = arith.constant 112 : index
      %swap3A_99 = tpu.vector_load %arg9[%swap3A_97, %swap3A_98] {strides = array<i32>} : memref<80x128xf32, #tpu.memory_space<vmem>>, vector<1x16xf32>,
      %swap3A_100 = vector.shape_cast %swap3A_99 : vector<1x16xf32> to vector<16xf32>
      %swap3A_101 = vector.shape_cast %broadcast_in_dim3A_1 : vector<16xf32> to vector<1x16xf32>
      tpu.vector_store %arg9[%swap3A_97, %swap3A_98], %swap3A_101 {strides = array<i32>} : memref<80x128xf32, #tpu.memory_space<vmem>>, vector<1x16xf32>,
    }
    %scan3A_5 = arith.constant 80 : i32
    %mul3A_6 = arith.constant 640 : i32
    %mul3A_7 = arith.muli %arg1, %mul3A_6 : i32
    %add3A_8 = arith.constant 0 : i32
    %add3A_9 = arith.addi %mul3A_7, %add3A_8 : i32
    "tpu.region"() ({
      %run_scoped3A = tpu.sem_alloc : memref<!tpu.dma_semaphore, #tpu.memory_space<semaphore_mem>>
      %dma_start3A = arith.constant 0 : i32
      %dma_start3A_58 = tpu.memref_slice %arg11[%add3A_9, %dma_start3A] : memref<10240x128xf32, #tpu.memory_space<vmem_shared>> -> memref<80x128xf32, #tpu.memory_space<vmem_shared>>
      %dma_start3A_59 = arith.constant 0 : i32
      %dma_start3A_60 = tpu.memref_slice %arg11[%add3A_9, %dma_start3A_59] : memref<10240x128xf32, #tpu.memory_space<vmem_shared>> -> memref<80x128xf32, #tpu.memory_space<vmem_shared>>
      tpu.enqueue_dma source(%arg9 : memref<80x128xf32, #tpu.memory_space<vmem>>) target(%dma_start3A_60 : memref<80x128xf32, #tpu.memory_space<vmem_shared>>) target_semaphore(%run_scoped3A : memref<!tpu.dma_semaphore, #tpu.memory_space<semaphore_mem>>)
      %dma_wait3A = arith.constant 0 : i32
      %dma_wait3A_61 = tpu.memref_slice %arg11[%add3A_9, %dma_wait3A] : memref<10240x128xf32, #tpu.memory_space<vmem_shared>> -> memref<80x128xf32, #tpu.memory_space<vmem_shared>>
      %dma_wait3A_62 = arith.constant 0 : i32
      %dma_wait3A_63 = tpu.memref_slice %arg11[%add3A_9, %dma_wait3A_62] : memref<10240x128xf32, #tpu.memory_space<vmem_shared>> -> memref<80x128xf32, #tpu.memory_space<vmem_shared>>
      tpu.wait_dma2 semaphore(%run_scoped3A : memref<!tpu.dma_semaphore, #tpu.memory_space<semaphore_mem>>) src(%arg9 : memref<80x128xf32, #tpu.memory_space<vmem>>) dst(%dma_wait3A_63 : memref<80x128xf32, #tpu.memory_space<vmem_shared>>)
      tpu.yield
    }) : () -> ()
    %add3A_10 = arith.constant 80 : i32
    %add3A_11 = arith.addi %mul3A_7, %add3A_10 : i32
    "tpu.region"() ({
      %run_scoped3A = tpu.sem_alloc : memref<!tpu.dma_semaphore, #tpu.memory_space<semaphore_mem>>
      %dma_start3A = arith.constant 0 : i32
      %dma_start3A_58 = tpu.memref_slice %arg11[%add3A_11, %dma_start3A] : memref<10240x128xf32, #tpu.memory_space<vmem_shared>> -> memref<80x128xf32, #tpu.memory_space<vmem_shared>>
      %dma_start3A_59 = arith.constant 0 : i32
      %dma_start3A_60 = tpu.memref_slice %arg11[%add3A_11, %dma_start3A_59] : memref<10240x128xf32, #tpu.memory_space<vmem_shared>> -> memref<80x128xf32, #tpu.memory_space<vmem_shared>>
      tpu.enqueue_dma source(%arg9 : memref<80x128xf32, #tpu.memory_space<vmem>>) target(%dma_start3A_60 : memref<80x128xf32, #tpu.memory_space<vmem_shared>>) target_semaphore(%run_scoped3A : memref<!tpu.dma_semaphore, #tpu.memory_space<semaphore_mem>>)
      %dma_wait3A = arith.constant 0 : i32
      %dma_wait3A_61 = tpu.memref_slice %arg11[%add3A_11, %dma_wait3A] : memref<10240x128xf32, #tpu.memory_space<vmem_shared>> -> memref<80x128xf32, #tpu.memory_space<vmem_shared>>
      %dma_wait3A_62 = arith.constant 0 : i32
      %dma_wait3A_63 = tpu.memref_slice %arg11[%add3A_11, %dma_wait3A_62] : memref<10240x128xf32, #tpu.memory_space<vmem_shared>> -> memref<80x128xf32, #tpu.memory_space<vmem_shared>>
      tpu.wait_dma2 semaphore(%run_scoped3A : memref<!tpu.dma_semaphore, #tpu.memory_space<semaphore_mem>>) src(%arg9 : memref<80x128xf32, #tpu.memory_space<vmem>>) dst(%dma_wait3A_63 : memref<80x128xf32, #tpu.memory_space<vmem_shared>>)
      tpu.yield
    }) : () -> ()
    %add3A_12 = arith.constant 160 : i32
    %add3A_13 = arith.addi %mul3A_7, %add3A_12 : i32
    "tpu.region"() ({
      %run_scoped3A = tpu.sem_alloc : memref<!tpu.dma_semaphore, #tpu.memory_space<semaphore_mem>>
      %dma_start3A = arith.constant 0 : i32
      %dma_start3A_58 = tpu.memref_slice %arg11[%add3A_13, %dma_start3A] : memref<10240x128xf32, #tpu.memory_space<vmem_shared>> -> memref<80x128xf32, #tpu.memory_space<vmem_shared>>
      %dma_start3A_59 = arith.constant 0 : i32
      %dma_start3A_60 = tpu.memref_slice %arg11[%add3A_13, %dma_start3A_59] : memref<10240x128xf32, #tpu.memory_space<vmem_shared>> -> memref<80x128xf32, #tpu.memory_space<vmem_shared>>
      tpu.enqueue_dma source(%arg9 : memref<80x128xf32, #tpu.memory_space<vmem>>) target(%dma_start3A_60 : memref<80x128xf32, #tpu.memory_space<vmem_shared>>) target_semaphore(%run_scoped3A : memref<!tpu.dma_semaphore, #tpu.memory_space<semaphore_mem>>)
      %dma_wait3A = arith.constant 0 : i32
      %dma_wait3A_61 = tpu.memref_slice %arg11[%add3A_13, %dma_wait3A] : memref<10240x128xf32, #tpu.memory_space<vmem_shared>> -> memref<80x128xf32, #tpu.memory_space<vmem_shared>>
      %dma_wait3A_62 = arith.constant 0 : i32
      %dma_wait3A_63 = tpu.memref_slice %arg11[%add3A_13, %dma_wait3A_62] : memref<10240x128xf32, #tpu.memory_space<vmem_shared>> -> memref<80x128xf32, #tpu.memory_space<vmem_shared>>
      tpu.wait_dma2 semaphore(%run_scoped3A : memref<!tpu.dma_semaphore, #tpu.memory_space<semaphore_mem>>) src(%arg9 : memref<80x128xf32, #tpu.memory_space<vmem>>) dst(%dma_wait3A_63 : memref<80x128xf32, #tpu.memory_space<vmem_shared>>)
      tpu.yield
    }) : () -> ()
    %add3A_14 = arith.constant 240 : i32
    %add3A_15 = arith.addi %mul3A_7, %add3A_14 : i32
    "tpu.region"() ({
      %run_scoped3A = tpu.sem_alloc : memref<!tpu.dma_semaphore, #tpu.memory_space<semaphore_mem>>
      %dma_start3A = arith.constant 0 : i32
      %dma_start3A_58 = tpu.memref_slice %arg11[%add3A_15, %dma_start3A] : memref<10240x128xf32, #tpu.memory_space<vmem_shared>> -> memref<80x128xf32, #tpu.memory_space<vmem_shared>>
      %dma_start3A_59 = arith.constant 0 : i32
      %dma_start3A_60 = tpu.memref_slice %arg11[%add3A_15, %dma_start3A_59] : memref<10240x128xf32, #tpu.memory_space<vmem_shared>> -> memref<80x128xf32, #tpu.memory_space<vmem_shared>>
      tpu.enqueue_dma source(%arg9 : memref<80x128xf32, #tpu.memory_space<vmem>>) target(%dma_start3A_60 : memref<80x128xf32, #tpu.memory_space<vmem_shared>>) target_semaphore(%run_scoped3A : memref<!tpu.dma_semaphore, #tpu.memory_space<semaphore_mem>>)
      %dma_wait3A = arith.constant 0 : i32
      %dma_wait3A_61 = tpu.memref_slice %arg11[%add3A_15, %dma_wait3A] : memref<10240x128xf32, #tpu.memory_space<vmem_shared>> -> memref<80x128xf32, #tpu.memory_space<vmem_shared>>
      %dma_wait3A_62 = arith.constant 0 : i32
      %dma_wait3A_63 = tpu.memref_slice %arg11[%add3A_15, %dma_wait3A_62] : memref<10240x128xf32, #tpu.memory_space<vmem_shared>> -> memref<80x128xf32, #tpu.memory_space<vmem_shared>>
      tpu.wait_dma2 semaphore(%run_scoped3A : memref<!tpu.dma_semaphore, #tpu.memory_space<semaphore_mem>>) src(%arg9 : memref<80x128xf32, #tpu.memory_space<vmem>>) dst(%dma_wait3A_63 : memref<80x128xf32, #tpu.memory_space<vmem_shared>>)
      tpu.yield
    }) : () -> ()
    %add3A_16 = arith.constant 320 : i32
    %add3A_17 = arith.addi %mul3A_7, %add3A_16 : i32
    "tpu.region"() ({
      %run_scoped3A = tpu.sem_alloc : memref<!tpu.dma_semaphore, #tpu.memory_space<semaphore_mem>>
      %dma_start3A = arith.constant 0 : i32
      %dma_start3A_58 = tpu.memref_slice %arg11[%add3A_17, %dma_start3A] : memref<10240x128xf32, #tpu.memory_space<vmem_shared>> -> memref<80x128xf32, #tpu.memory_space<vmem_shared>>
      %dma_start3A_59 = arith.constant 0 : i32
      %dma_start3A_60 = tpu.memref_slice %arg11[%add3A_17, %dma_start3A_59] : memref<10240x128xf32, #tpu.memory_space<vmem_shared>> -> memref<80x128xf32, #tpu.memory_space<vmem_shared>>
      tpu.enqueue_dma source(%arg9 : memref<80x128xf32, #tpu.memory_space<vmem>>) target(%dma_start3A_60 : memref<80x128xf32, #tpu.memory_space<vmem_shared>>) target_semaphore(%run_scoped3A : memref<!tpu.dma_semaphore, #tpu.memory_space<semaphore_mem>>)
      %dma_wait3A = arith.constant 0 : i32
      %dma_wait3A_61 = tpu.memref_slice %arg11[%add3A_17, %dma_wait3A] : memref<10240x128xf32, #tpu.memory_space<vmem_shared>> -> memref<80x128xf32, #tpu.memory_space<vmem_shared>>
      %dma_wait3A_62 = arith.constant 0 : i32
      %dma_wait3A_63 = tpu.memref_slice %arg11[%add3A_17, %dma_wait3A_62] : memref<10240x128xf32, #tpu.memory_space<vmem_shared>> -> memref<80x128xf32, #tpu.memory_space<vmem_shared>>
      tpu.wait_dma2 semaphore(%run_scoped3A : memref<!tpu.dma_semaphore, #tpu.memory_space<semaphore_mem>>) src(%arg9 : memref<80x128xf32, #tpu.memory_space<vmem>>) dst(%dma_wait3A_63 : memref<80x128xf32, #tpu.memory_space<vmem_shared>>)
      tpu.yield
    }) : () -> ()
    %add3A_18 = arith.constant 400 : i32
    %add3A_19 = arith.addi %mul3A_7, %add3A_18 : i32
    "tpu.region"() ({
      %run_scoped3A = tpu.sem_alloc : memref<!tpu.dma_semaphore, #tpu.memory_space<semaphore_mem>>
      %dma_start3A = arith.constant 0 : i32
      %dma_start3A_58 = tpu.memref_slice %arg11[%add3A_19, %dma_start3A] : memref<10240x128xf32, #tpu.memory_space<vmem_shared>> -> memref<80x128xf32, #tpu.memory_space<vmem_shared>>
      %dma_start3A_59 = arith.constant 0 : i32
      %dma_start3A_60 = tpu.memref_slice %arg11[%add3A_19, %dma_start3A_59] : memref<10240x128xf32, #tpu.memory_space<vmem_shared>> -> memref<80x128xf32, #tpu.memory_space<vmem_shared>>
      tpu.enqueue_dma source(%arg9 : memref<80x128xf32, #tpu.memory_space<vmem>>) target(%dma_start3A_60 : memref<80x128xf32, #tpu.memory_space<vmem_shared>>) target_semaphore(%run_scoped3A : memref<!tpu.dma_semaphore, #tpu.memory_space<semaphore_mem>>)
      %dma_wait3A = arith.constant 0 : i32
      %dma_wait3A_61 = tpu.memref_slice %arg11[%add3A_19, %dma_wait3A] : memref<10240x128xf32, #tpu.memory_space<vmem_shared>> -> memref<80x128xf32, #tpu.memory_space<vmem_shared>>
      %dma_wait3A_62 = arith.constant 0 : i32
      %dma_wait3A_63 = tpu.memref_slice %arg11[%add3A_19, %dma_wait3A_62] : memref<10240x128xf32, #tpu.memory_space<vmem_shared>> -> memref<80x128xf32, #tpu.memory_space<vmem_shared>>
      tpu.wait_dma2 semaphore(%run_scoped3A : memref<!tpu.dma_semaphore, #tpu.memory_space<semaphore_mem>>) src(%arg9 : memref<80x128xf32, #tpu.memory_space<vmem>>) dst(%dma_wait3A_63 : memref<80x128xf32, #tpu.memory_space<vmem_shared>>)
      tpu.yield
    }) : () -> ()
    %add3A_20 = arith.constant 480 : i32
    %add3A_21 = arith.addi %mul3A_7, %add3A_20 : i32
    "tpu.region"() ({
      %run_scoped3A = tpu.sem_alloc : memref<!tpu.dma_semaphore, #tpu.memory_space<semaphore_mem>>
      %dma_start3A = arith.constant 0 : i32
      %dma_start3A_58 = tpu.memref_slice %arg11[%add3A_21, %dma_start3A] : memref<10240x128xf32, #tpu.memory_space<vmem_shared>> -> memref<80x128xf32, #tpu.memory_space<vmem_shared>>
      %dma_start3A_59 = arith.constant 0 : i32
      %dma_start3A_60 = tpu.memref_slice %arg11[%add3A_21, %dma_start3A_59] : memref<10240x128xf32, #tpu.memory_space<vmem_shared>> -> memref<80x128xf32, #tpu.memory_space<vmem_shared>>
      tpu.enqueue_dma source(%arg9 : memref<80x128xf32, #tpu.memory_space<vmem>>) target(%dma_start3A_60 : memref<80x128xf32, #tpu.memory_space<vmem_shared>>) target_semaphore(%run_scoped3A : memref<!tpu.dma_semaphore, #tpu.memory_space<semaphore_mem>>)
      %dma_wait3A = arith.constant 0 : i32
      %dma_wait3A_61 = tpu.memref_slice %arg11[%add3A_21, %dma_wait3A] : memref<10240x128xf32, #tpu.memory_space<vmem_shared>> -> memref<80x128xf32, #tpu.memory_space<vmem_shared>>
      %dma_wait3A_62 = arith.constant 0 : i32
      %dma_wait3A_63 = tpu.memref_slice %arg11[%add3A_21, %dma_wait3A_62] : memref<10240x128xf32, #tpu.memory_space<vmem_shared>> -> memref<80x128xf32, #tpu.memory_space<vmem_shared>>
      tpu.wait_dma2 semaphore(%run_scoped3A : memref<!tpu.dma_semaphore, #tpu.memory_space<semaphore_mem>>) src(%arg9 : memref<80x128xf32, #tpu.memory_space<vmem>>) dst(%dma_wait3A_63 : memref<80x128xf32, #tpu.memory_space<vmem_shared>>)
      tpu.yield
    }) : () -> ()
    %add3A_22 = arith.constant 560 : i32
    %add3A_23 = arith.addi %mul3A_7, %add3A_22 : i32
    "tpu.region"() ({
      %run_scoped3A = tpu.sem_alloc : memref<!tpu.dma_semaphore, #tpu.memory_space<semaphore_mem>>
      %dma_start3A = arith.constant 0 : i32
      %dma_start3A_58 = tpu.memref_slice %arg11[%add3A_23, %dma_start3A] : memref<10240x128xf32, #tpu.memory_space<vmem_shared>> -> memref<80x128xf32, #tpu.memory_space<vmem_shared>>
      %dma_start3A_59 = arith.constant 0 : i32
      %dma_start3A_60 = tpu.memref_slice %arg11[%add3A_23, %dma_start3A_59] : memref<10240x128xf32, #tpu.memory_space<vmem_shared>> -> memref<80x128xf32, #tpu.memory_space<vmem_shared>>
      tpu.enqueue_dma source(%arg9 : memref<80x128xf32, #tpu.memory_space<vmem>>) target(%dma_start3A_60 : memref<80x128xf32, #tpu.memory_space<vmem_shared>>) target_semaphore(%run_scoped3A : memref<!tpu.dma_semaphore, #tpu.memory_space<semaphore_mem>>)
      %dma_wait3A = arith.constant 0 : i32
      %dma_wait3A_61 = tpu.memref_slice %arg11[%add3A_23, %dma_wait3A] : memref<10240x128xf32, #tpu.memory_space<vmem_shared>> -> memref<80x128xf32, #tpu.memory_space<vmem_shared>>
      %dma_wait3A_62 = arith.constant 0 : i32
      %dma_wait3A_63 = tpu.memref_slice %arg11[%add3A_23, %dma_wait3A_62] : memref<10240x128xf32, #tpu.memory_space<vmem_shared>> -> memref<80x128xf32, #tpu.memory_space<vmem_shared>>
      tpu.wait_dma2 semaphore(%run_scoped3A : memref<!tpu.dma_semaphore, #tpu.memory_space<semaphore_mem>>) src(%arg9 : memref<80x128xf32, #tpu.memory_space<vmem>>) dst(%dma_wait3A_63 : memref<80x128xf32, #tpu.memory_space<vmem_shared>>)
      tpu.yield
    }) : () -> ()
    %scan3A_24 = arith.constant 0 : i32
    %scan3A_25 = arith.constant 80 : i32
    %scan3A_26 = arith.addi %scan3A_24, %scan3A_25 : i32
    %scan3A_27 = arith.constant 1 : i32
    scf.for %scan3A_58 = %scan3A_24 to %scan3A_26 step %scan3A_27  : i32 {
      %mul3A_59 = arith.constant 1 : i32
      %mul3A_60 = arith.muli %scan3A_58, %mul3A_59 : i32
      %add3A_61 = arith.constant 0 : i32
      %add3A_62 = arith.addi %add3A_61, %mul3A_60 : i32
      %swap3A = arith.index_cast %add3A_62 : i32 to index
      %swap3A_63 = arith.constant 0 : index
      %swap3A_64 = tpu.vector_load %arg10[%swap3A, %swap3A_63] {strides = array<i32>} : memref<80x16xf32, #tpu.memory_space<vmem>>, vector<1x16xf32>,
      %swap3A_65 = vector.shape_cast %swap3A_64 : vector<1x16xf32> to vector<16xf32>
      %swap3A_66 = vector.shape_cast %broadcast_in_dim3A_1 : vector<16xf32> to vector<1x16xf32>
      tpu.vector_store %arg10[%swap3A, %swap3A_63], %swap3A_66 {strides = array<i32>} : memref<80x16xf32, #tpu.memory_space<vmem>>, vector<1x16xf32>,
    }
    %scan3A_28 = arith.constant 80 : i32
    %add3A_29 = arith.constant 0 : i32
    %add3A_30 = arith.addi %mul3A_7, %add3A_29 : i32
    "tpu.region"() ({
      %run_scoped3A = tpu.sem_alloc : memref<!tpu.dma_semaphore, #tpu.memory_space<semaphore_mem>>
      %dma_start3A = arith.constant 0 : i32
      %dma_start3A_58 = tpu.memref_slice %arg12[%add3A_30, %dma_start3A] : memref<10240x16xf32, #tpu.memory_space<vmem_shared>> -> memref<80x16xf32, #tpu.memory_space<vmem_shared>>
      %dma_start3A_59 = arith.constant 0 : i32
      %dma_start3A_60 = tpu.memref_slice %arg12[%add3A_30, %dma_start3A_59] : memref<10240x16xf32, #tpu.memory_space<vmem_shared>> -> memref<80x16xf32, #tpu.memory_space<vmem_shared>>
      tpu.enqueue_dma source(%arg10 : memref<80x16xf32, #tpu.memory_space<vmem>>) target(%dma_start3A_60 : memref<80x16xf32, #tpu.memory_space<vmem_shared>>) target_semaphore(%run_scoped3A : memref<!tpu.dma_semaphore, #tpu.memory_space<semaphore_mem>>)
      %dma_wait3A = arith.constant 0 : i32
      %dma_wait3A_61 = tpu.memref_slice %arg12[%add3A_30, %dma_wait3A] : memref<10240x16xf32, #tpu.memory_space<vmem_shared>> -> memref<80x16xf32, #tpu.memory_space<vmem_shared>>
      %dma_wait3A_62 = arith.constant 0 : i32
      %dma_wait3A_63 = tpu.memref_slice %arg12[%add3A_30, %dma_wait3A_62] : memref<10240x16xf32, #tpu.memory_space<vmem_shared>> -> memref<80x16xf32, #tpu.memory_space<vmem_shared>>
      tpu.wait_dma2 semaphore(%run_scoped3A : memref<!tpu.dma_semaphore, #tpu.memory_space<semaphore_mem>>) src(%arg10 : memref<80x16xf32, #tpu.memory_space<vmem>>) dst(%dma_wait3A_63 : memref<80x16xf32, #tpu.memory_space<vmem_shared>>)
      tpu.yield
    }) : () -> ()
    %add3A_31 = arith.constant 80 : i32
    %add3A_32 = arith.addi %mul3A_7, %add3A_31 : i32
    "tpu.region"() ({
      %run_scoped3A = tpu.sem_alloc : memref<!tpu.dma_semaphore, #tpu.memory_space<semaphore_mem>>
      %dma_start3A = arith.constant 0 : i32
      %dma_start3A_58 = tpu.memref_slice %arg12[%add3A_32, %dma_start3A] : memref<10240x16xf32, #tpu.memory_space<vmem_shared>> -> memref<80x16xf32, #tpu.memory_space<vmem_shared>>
      %dma_start3A_59 = arith.constant 0 : i32
      %dma_start3A_60 = tpu.memref_slice %arg12[%add3A_32, %dma_start3A_59] : memref<10240x16xf32, #tpu.memory_space<vmem_shared>> -> memref<80x16xf32, #tpu.memory_space<vmem_shared>>
      tpu.enqueue_dma source(%arg10 : memref<80x16xf32, #tpu.memory_space<vmem>>) target(%dma_start3A_60 : memref<80x16xf32, #tpu.memory_space<vmem_shared>>) target_semaphore(%run_scoped3A : memref<!tpu.dma_semaphore, #tpu.memory_space<semaphore_mem>>)
      %dma_wait3A = arith.constant 0 : i32
      %dma_wait3A_61 = tpu.memref_slice %arg12[%add3A_32, %dma_wait3A] : memref<10240x16xf32, #tpu.memory_space<vmem_shared>> -> memref<80x16xf32, #tpu.memory_space<vmem_shared>>
      %dma_wait3A_62 = arith.constant 0 : i32
      %dma_wait3A_63 = tpu.memref_slice %arg12[%add3A_32, %dma_wait3A_62] : memref<10240x16xf32, #tpu.memory_space<vmem_shared>> -> memref<80x16xf32, #tpu.memory_space<vmem_shared>>
      tpu.wait_dma2 semaphore(%run_scoped3A : memref<!tpu.dma_semaphore, #tpu.memory_space<semaphore_mem>>) src(%arg10 : memref<80x16xf32, #tpu.memory_space<vmem>>) dst(%dma_wait3A_63 : memref<80x16xf32, #tpu.memory_space<vmem_shared>>)
      tpu.yield
    }) : () -> ()
    %add3A_33 = arith.constant 160 : i32
    %add3A_34 = arith.addi %mul3A_7, %add3A_33 : i32
    "tpu.region"() ({
      %run_scoped3A = tpu.sem_alloc : memref<!tpu.dma_semaphore, #tpu.memory_space<semaphore_mem>>
      %dma_start3A = arith.constant 0 : i32
      %dma_start3A_58 = tpu.memref_slice %arg12[%add3A_34, %dma_start3A] : memref<10240x16xf32, #tpu.memory_space<vmem_shared>> -> memref<80x16xf32, #tpu.memory_space<vmem_shared>>
      %dma_start3A_59 = arith.constant 0 : i32
      %dma_start3A_60 = tpu.memref_slice %arg12[%add3A_34, %dma_start3A_59] : memref<10240x16xf32, #tpu.memory_space<vmem_shared>> -> memref<80x16xf32, #tpu.memory_space<vmem_shared>>
      tpu.enqueue_dma source(%arg10 : memref<80x16xf32, #tpu.memory_space<vmem>>) target(%dma_start3A_60 : memref<80x16xf32, #tpu.memory_space<vmem_shared>>) target_semaphore(%run_scoped3A : memref<!tpu.dma_semaphore, #tpu.memory_space<semaphore_mem>>)
      %dma_wait3A = arith.constant 0 : i32
      %dma_wait3A_61 = tpu.memref_slice %arg12[%add3A_34, %dma_wait3A] : memref<10240x16xf32, #tpu.memory_space<vmem_shared>> -> memref<80x16xf32, #tpu.memory_space<vmem_shared>>
      %dma_wait3A_62 = arith.constant 0 : i32
      %dma_wait3A_63 = tpu.memref_slice %arg12[%add3A_34, %dma_wait3A_62] : memref<10240x16xf32, #tpu.memory_space<vmem_shared>> -> memref<80x16xf32, #tpu.memory_space<vmem_shared>>
      tpu.wait_dma2 semaphore(%run_scoped3A : memref<!tpu.dma_semaphore, #tpu.memory_space<semaphore_mem>>) src(%arg10 : memref<80x16xf32, #tpu.memory_space<vmem>>) dst(%dma_wait3A_63 : memref<80x16xf32, #tpu.memory_space<vmem_shared>>)
      tpu.yield
    }) : () -> ()
    %add3A_35 = arith.constant 240 : i32
    %add3A_36 = arith.addi %mul3A_7, %add3A_35 : i32
    "tpu.region"() ({
      %run_scoped3A = tpu.sem_alloc : memref<!tpu.dma_semaphore, #tpu.memory_space<semaphore_mem>>
      %dma_start3A = arith.constant 0 : i32
      %dma_start3A_58 = tpu.memref_slice %arg12[%add3A_36, %dma_start3A] : memref<10240x16xf32, #tpu.memory_space<vmem_shared>> -> memref<80x16xf32, #tpu.memory_space<vmem_shared>>
      %dma_start3A_59 = arith.constant 0 : i32
      %dma_start3A_60 = tpu.memref_slice %arg12[%add3A_36, %dma_start3A_59] : memref<10240x16xf32, #tpu.memory_space<vmem_shared>> -> memref<80x16xf32, #tpu.memory_space<vmem_shared>>
      tpu.enqueue_dma source(%arg10 : memref<80x16xf32, #tpu.memory_space<vmem>>) target(%dma_start3A_60 : memref<80x16xf32, #tpu.memory_space<vmem_shared>>) target_semaphore(%run_scoped3A : memref<!tpu.dma_semaphore, #tpu.memory_space<semaphore_mem>>)
      %dma_wait3A = arith.constant 0 : i32
      %dma_wait3A_61 = tpu.memref_slice %arg12[%add3A_36, %dma_wait3A] : memref<10240x16xf32, #tpu.memory_space<vmem_shared>> -> memref<80x16xf32, #tpu.memory_space<vmem_shared>>
      %dma_wait3A_62 = arith.constant 0 : i32
      %dma_wait3A_63 = tpu.memref_slice %arg12[%add3A_36, %dma_wait3A_62] : memref<10240x16xf32, #tpu.memory_space<vmem_shared>> -> memref<80x16xf32, #tpu.memory_space<vmem_shared>>
      tpu.wait_dma2 semaphore(%run_scoped3A : memref<!tpu.dma_semaphore, #tpu.memory_space<semaphore_mem>>) src(%arg10 : memref<80x16xf32, #tpu.memory_space<vmem>>) dst(%dma_wait3A_63 : memref<80x16xf32, #tpu.memory_space<vmem_shared>>)
      tpu.yield
    }) : () -> ()
    %add3A_37 = arith.constant 320 : i32
    %add3A_38 = arith.addi %mul3A_7, %add3A_37 : i32
    "tpu.region"() ({
      %run_scoped3A = tpu.sem_alloc : memref<!tpu.dma_semaphore, #tpu.memory_space<semaphore_mem>>
      %dma_start3A = arith.constant 0 : i32
      %dma_start3A_58 = tpu.memref_slice %arg12[%add3A_38, %dma_start3A] : memref<10240x16xf32, #tpu.memory_space<vmem_shared>> -> memref<80x16xf32, #tpu.memory_space<vmem_shared>>
      %dma_start3A_59 = arith.constant 0 : i32
      %dma_start3A_60 = tpu.memref_slice %arg12[%add3A_38, %dma_start3A_59] : memref<10240x16xf32, #tpu.memory_space<vmem_shared>> -> memref<80x16xf32, #tpu.memory_space<vmem_shared>>
      tpu.enqueue_dma source(%arg10 : memref<80x16xf32, #tpu.memory_space<vmem>>) target(%dma_start3A_60 : memref<80x16xf32, #tpu.memory_space<vmem_shared>>) target_semaphore(%run_scoped3A : memref<!tpu.dma_semaphore, #tpu.memory_space<semaphore_mem>>)
      %dma_wait3A = arith.constant 0 : i32
      %dma_wait3A_61 = tpu.memref_slice %arg12[%add3A_38, %dma_wait3A] : memref<10240x16xf32, #tpu.memory_space<vmem_shared>> -> memref<80x16xf32, #tpu.memory_space<vmem_shared>>
      %dma_wait3A_62 = arith.constant 0 : i32
      %dma_wait3A_63 = tpu.memref_slice %arg12[%add3A_38, %dma_wait3A_62] : memref<10240x16xf32, #tpu.memory_space<vmem_shared>> -> memref<80x16xf32, #tpu.memory_space<vmem_shared>>
      tpu.wait_dma2 semaphore(%run_scoped3A : memref<!tpu.dma_semaphore, #tpu.memory_space<semaphore_mem>>) src(%arg10 : memref<80x16xf32, #tpu.memory_space<vmem>>) dst(%dma_wait3A_63 : memref<80x16xf32, #tpu.memory_space<vmem_shared>>)
      tpu.yield
    }) : () -> ()
    %add3A_39 = arith.constant 400 : i32
    %add3A_40 = arith.addi %mul3A_7, %add3A_39 : i32
    "tpu.region"() ({
      %run_scoped3A = tpu.sem_alloc : memref<!tpu.dma_semaphore, #tpu.memory_space<semaphore_mem>>
      %dma_start3A = arith.constant 0 : i32
      %dma_start3A_58 = tpu.memref_slice %arg12[%add3A_40, %dma_start3A] : memref<10240x16xf32, #tpu.memory_space<vmem_shared>> -> memref<80x16xf32, #tpu.memory_space<vmem_shared>>
      %dma_start3A_59 = arith.constant 0 : i32
      %dma_start3A_60 = tpu.memref_slice %arg12[%add3A_40, %dma_start3A_59] : memref<10240x16xf32, #tpu.memory_space<vmem_shared>> -> memref<80x16xf32, #tpu.memory_space<vmem_shared>>
      tpu.enqueue_dma source(%arg10 : memref<80x16xf32, #tpu.memory_space<vmem>>) target(%dma_start3A_60 : memref<80x16xf32, #tpu.memory_space<vmem_shared>>) target_semaphore(%run_scoped3A : memref<!tpu.dma_semaphore, #tpu.memory_space<semaphore_mem>>)
      %dma_wait3A = arith.constant 0 : i32
      %dma_wait3A_61 = tpu.memref_slice %arg12[%add3A_40, %dma_wait3A] : memref<10240x16xf32, #tpu.memory_space<vmem_shared>> -> memref<80x16xf32, #tpu.memory_space<vmem_shared>>
      %dma_wait3A_62 = arith.constant 0 : i32
      %dma_wait3A_63 = tpu.memref_slice %arg12[%add3A_40, %dma_wait3A_62] : memref<10240x16xf32, #tpu.memory_space<vmem_shared>> -> memref<80x16xf32, #tpu.memory_space<vmem_shared>>
      tpu.wait_dma2 semaphore(%run_scoped3A : memref<!tpu.dma_semaphore, #tpu.memory_space<semaphore_mem>>) src(%arg10 : memref<80x16xf32, #tpu.memory_space<vmem>>) dst(%dma_wait3A_63 : memref<80x16xf32, #tpu.memory_space<vmem_shared>>)
      tpu.yield
    }) : () -> ()
    %add3A_41 = arith.constant 480 : i32
    %add3A_42 = arith.addi %mul3A_7, %add3A_41 : i32
    "tpu.region"() ({
      %run_scoped3A = tpu.sem_alloc : memref<!tpu.dma_semaphore, #tpu.memory_space<semaphore_mem>>
      %dma_start3A = arith.constant 0 : i32
      %dma_start3A_58 = tpu.memref_slice %arg12[%add3A_42, %dma_start3A] : memref<10240x16xf32, #tpu.memory_space<vmem_shared>> -> memref<80x16xf32, #tpu.memory_space<vmem_shared>>
      %dma_start3A_59 = arith.constant 0 : i32
      %dma_start3A_60 = tpu.memref_slice %arg12[%add3A_42, %dma_start3A_59] : memref<10240x16xf32, #tpu.memory_space<vmem_shared>> -> memref<80x16xf32, #tpu.memory_space<vmem_shared>>
      tpu.enqueue_dma source(%arg10 : memref<80x16xf32, #tpu.memory_space<vmem>>) target(%dma_start3A_60 : memref<80x16xf32, #tpu.memory_space<vmem_shared>>) target_semaphore(%run_scoped3A : memref<!tpu.dma_semaphore, #tpu.memory_space<semaphore_mem>>)
      %dma_wait3A = arith.constant 0 : i32
      %dma_wait3A_61 = tpu.memref_slice %arg12[%add3A_42, %dma_wait3A] : memref<10240x16xf32, #tpu.memory_space<vmem_shared>> -> memref<80x16xf32, #tpu.memory_space<vmem_shared>>
      %dma_wait3A_62 = arith.constant 0 : i32
      %dma_wait3A_63 = tpu.memref_slice %arg12[%add3A_42, %dma_wait3A_62] : memref<10240x16xf32, #tpu.memory_space<vmem_shared>> -> memref<80x16xf32, #tpu.memory_space<vmem_shared>>
      tpu.wait_dma2 semaphore(%run_scoped3A : memref<!tpu.dma_semaphore, #tpu.memory_space<semaphore_mem>>) src(%arg10 : memref<80x16xf32, #tpu.memory_space<vmem>>) dst(%dma_wait3A_63 : memref<80x16xf32, #tpu.memory_space<vmem_shared>>)
      tpu.yield
    }) : () -> ()
    %add3A_43 = arith.constant 560 : i32
    %add3A_44 = arith.addi %mul3A_7, %add3A_43 : i32
    "tpu.region"() ({
      %run_scoped3A = tpu.sem_alloc : memref<!tpu.dma_semaphore, #tpu.memory_space<semaphore_mem>>
      %dma_start3A = arith.constant 0 : i32
      %dma_start3A_58 = tpu.memref_slice %arg12[%add3A_44, %dma_start3A] : memref<10240x16xf32, #tpu.memory_space<vmem_shared>> -> memref<80x16xf32, #tpu.memory_space<vmem_shared>>
      %dma_start3A_59 = arith.constant 0 : i32
      %dma_start3A_60 = tpu.memref_slice %arg12[%add3A_44, %dma_start3A_59] : memref<10240x16xf32, #tpu.memory_space<vmem_shared>> -> memref<80x16xf32, #tpu.memory_space<vmem_shared>>
      tpu.enqueue_dma source(%arg10 : memref<80x16xf32, #tpu.memory_space<vmem>>) target(%dma_start3A_60 : memref<80x16xf32, #tpu.memory_space<vmem_shared>>) target_semaphore(%run_scoped3A : memref<!tpu.dma_semaphore, #tpu.memory_space<semaphore_mem>>)
      %dma_wait3A = arith.constant 0 : i32
      %dma_wait3A_61 = tpu.memref_slice %arg12[%add3A_44, %dma_wait3A] : memref<10240x16xf32, #tpu.memory_space<vmem_shared>> -> memref<80x16xf32, #tpu.memory_space<vmem_shared>>
      %dma_wait3A_62 = arith.constant 0 : i32
      %dma_wait3A_63 = tpu.memref_slice %arg12[%add3A_44, %dma_wait3A_62] : memref<10240x16xf32, #tpu.memory_space<vmem_shared>> -> memref<80x16xf32, #tpu.memory_space<vmem_shared>>
      tpu.wait_dma2 semaphore(%run_scoped3A : memref<!tpu.dma_semaphore, #tpu.memory_space<semaphore_mem>>) src(%arg10 : memref<80x16xf32, #tpu.memory_space<vmem>>) dst(%dma_wait3A_63 : memref<80x16xf32, #tpu.memory_space<vmem_shared>>)
      tpu.yield
    }) : () -> ()
    %broadcast_in_dim3A_45 = arith.constant 1.000000e+00 : f32
    %broadcast_in_dim3A_46 = vector.broadcast %broadcast_in_dim3A_45 : f32 to vector<16xf32>
    %scan3A_47 = arith.constant 0 : i32
    %scan3A_48 = arith.constant 80 : i32
    %scan3A_49 = arith.addi %scan3A_47, %scan3A_48 : i32
    %scan3A_50 = arith.constant 1 : i32
    scf.for %scan3A_58 = %scan3A_47 to %scan3A_49 step %scan3A_50  : i32 {
      %mul3A_59 = arith.constant 1 : i32
      %mul3A_60 = arith.muli %scan3A_58, %mul3A_59 : i32
      %add3A_61 = arith.constant 0 : i32
      %add3A_62 = arith.addi %add3A_61, %mul3A_60 : i32
      %swap3A = arith.index_cast %add3A_62 : i32 to index
      %swap3A_63 = arith.constant 0 : index
      %swap3A_64 = tpu.vector_load %arg10[%swap3A, %swap3A_63] {strides = array<i32>} : memref<80x16xf32, #tpu.memory_space<vmem>>, vector<1x16xf32>,
      %swap3A_65 = vector.shape_cast %swap3A_64 : vector<1x16xf32> to vector<16xf32>
      %swap3A_66 = vector.shape_cast %broadcast_in_dim3A_46 : vector<16xf32> to vector<1x16xf32>
      tpu.vector_store %arg10[%swap3A, %swap3A_63], %swap3A_66 {strides = array<i32>} : memref<80x16xf32, #tpu.memory_space<vmem>>, vector<1x16xf32>,
    }
    %scan3A_51 = arith.constant 80 : i32
    %barrier3A = arith.constant 0 : index
    tpu.barrier barrier_id(%barrier3A)
    %scan3A_52 = arith.constant 0 : i32
    %scan3A_53 = arith.constant 5 : i32
    %scan3A_54 = arith.addi %scan3A_52, %scan3A_53 : i32
    %scan3A_55 = arith.constant 1 : i32
    scf.for %scan3A_58 = %scan3A_52 to %scan3A_54 step %scan3A_55  : i32 {
      %mul3A_59 = arith.constant 1 : i32
      %mul3A_60 = arith.muli %scan3A_58, %mul3A_59 : i32
      %add3A_61 = arith.constant 0 : i32
      %add3A_62 = arith.addi %add3A_61, %mul3A_60 : i32
      %mul3A_63 = arith.constant 25 : i32
      %mul3A_64 = arith.muli %add3A_62, %mul3A_63 : i32
      "tpu.region"() ({
        %run_scoped3A = tpu.sem_alloc : memref<!tpu.dma_semaphore, #tpu.memory_space<semaphore_mem>>
        %dma_start3A = arith.constant 0 : i32
        %dma_start3A_72 = tpu.memref_slice %arg3[%add3A, %mul3A_64, %dma_start3A] : memref<32x125x80xi32, #tpu.memory_space<hbm>> -> memref<1x25x80xi32, #tpu.memory_space<hbm>>
        %dma_start3A_73 = tpu.memref_squeeze %dma_start3A_72 : memref<1x25x80xi32, #tpu.memory_space<hbm>> -> memref<25x80xi32, #tpu.memory_space<hbm>>
        %dma_start3A_74 = arith.constant 0 : i32
        %dma_start3A_75 = tpu.memref_slice %arg3[%add3A, %mul3A_64, %dma_start3A_74] : memref<32x125x80xi32, #tpu.memory_space<hbm>> -> memref<1x25x80xi32, #tpu.memory_space<hbm>>
        %dma_start3A_76 = tpu.memref_squeeze %dma_start3A_75 : memref<1x25x80xi32, #tpu.memory_space<hbm>> -> memref<25x80xi32, #tpu.memory_space<hbm>>
        tpu.enqueue_dma source(%dma_start3A_76 : memref<25x80xi32, #tpu.memory_space<hbm>>) target(%arg7 : memref<25x80xi32, #tpu.memory_space<vmem>>) target_semaphore(%run_scoped3A : memref<!tpu.dma_semaphore, #tpu.memory_space<semaphore_mem>>)
        %dma_wait3A = arith.constant 0 : i32
        %dma_wait3A_77 = tpu.memref_slice %arg3[%add3A, %mul3A_64, %dma_wait3A] : memref<32x125x80xi32, #tpu.memory_space<hbm>> -> memref<1x25x80xi32, #tpu.memory_space<hbm>>
        %dma_wait3A_78 = tpu.memref_squeeze %dma_wait3A_77 : memref<1x25x80xi32, #tpu.memory_space<hbm>> -> memref<25x80xi32, #tpu.memory_space<hbm>>
        %dma_wait3A_79 = arith.constant 0 : i32
        %dma_wait3A_80 = tpu.memref_slice %arg3[%add3A, %mul3A_64, %dma_wait3A_79] : memref<32x125x80xi32, #tpu.memory_space<hbm>> -> memref<1x25x80xi32, #tpu.memory_space<hbm>>
        %dma_wait3A_81 = tpu.memref_squeeze %dma_wait3A_80 : memref<1x25x80xi32, #tpu.memory_space<hbm>> -> memref<25x80xi32, #tpu.memory_space<hbm>>
        tpu.wait_dma2 semaphore(%run_scoped3A : memref<!tpu.dma_semaphore, #tpu.memory_space<semaphore_mem>>) src(%dma_wait3A_81 : memref<25x80xi32, #tpu.memory_space<hbm>>) dst(%arg7 : memref<25x80xi32, #tpu.memory_space<vmem>>)
        tpu.yield
      }) : () -> ()
      %mul3A_65 = arith.constant 25 : i32
      %mul3A_66 = arith.muli %add3A_62, %mul3A_65 : i32
      "tpu.region"() ({
        %run_scoped3A = tpu.sem_alloc : memref<!tpu.dma_semaphore, #tpu.memory_space<semaphore_mem>>
        %dma_start3A = arith.constant 0 : i32
        %dma_start3A_72 = tpu.memref_slice %arg4[%add3A, %mul3A_66, %dma_start3A] : memref<32x125x80xi32, #tpu.memory_space<hbm>> -> memref<1x25x80xi32, #tpu.memory_space<hbm>>
        %dma_start3A_73 = tpu.memref_squeeze %dma_start3A_72 : memref<1x25x80xi32, #tpu.memory_space<hbm>> -> memref<25x80xi32, #tpu.memory_space<hbm>>
        %dma_start3A_74 = arith.constant 0 : i32
        %dma_start3A_75 = tpu.memref_slice %arg4[%add3A, %mul3A_66, %dma_start3A_74] : memref<32x125x80xi32, #tpu.memory_space<hbm>> -> memref<1x25x80xi32, #tpu.memory_space<hbm>>
        %dma_start3A_76 = tpu.memref_squeeze %dma_start3A_75 : memref<1x25x80xi32, #tpu.memory_space<hbm>> -> memref<25x80xi32, #tpu.memory_space<hbm>>
        tpu.enqueue_dma source(%dma_start3A_76 : memref<25x80xi32, #tpu.memory_space<hbm>>) target(%arg8 : memref<25x80xi32, #tpu.memory_space<vmem>>) target_semaphore(%run_scoped3A : memref<!tpu.dma_semaphore, #tpu.memory_space<semaphore_mem>>)
        %dma_wait3A = arith.constant 0 : i32
        %dma_wait3A_77 = tpu.memref_slice %arg4[%add3A, %mul3A_66, %dma_wait3A] : memref<32x125x80xi32, #tpu.memory_space<hbm>> -> memref<1x25x80xi32, #tpu.memory_space<hbm>>
        %dma_wait3A_78 = tpu.memref_squeeze %dma_wait3A_77 : memref<1x25x80xi32, #tpu.memory_space<hbm>> -> memref<25x80xi32, #tpu.memory_space<hbm>>
        %dma_wait3A_79 = arith.constant 0 : i32
        %dma_wait3A_80 = tpu.memref_slice %arg4[%add3A, %mul3A_66, %dma_wait3A_79] : memref<32x125x80xi32, #tpu.memory_space<hbm>> -> memref<1x25x80xi32, #tpu.memory_space<hbm>>
        %dma_wait3A_81 = tpu.memref_squeeze %dma_wait3A_80 : memref<1x25x80xi32, #tpu.memory_space<hbm>> -> memref<25x80xi32, #tpu.memory_space<hbm>>
        tpu.wait_dma2 semaphore(%run_scoped3A : memref<!tpu.dma_semaphore, #tpu.memory_space<semaphore_mem>>) src(%dma_wait3A_81 : memref<25x80xi32, #tpu.memory_space<hbm>>) dst(%arg8 : memref<25x80xi32, #tpu.memory_space<vmem>>)
        tpu.yield
      }) : () -> ()
      %scan3A_67 = arith.constant 0 : i32
      %scan3A_68 = arith.constant 25 : i32
      %scan3A_69 = arith.addi %scan3A_67, %scan3A_68 : i32
      %scan3A_70 = arith.constant 1 : i32
      scf.for %scan3A_72 = %scan3A_67 to %scan3A_69 step %scan3A_70  : i32 {
        %mul3A_73 = arith.constant 1 : i32
        %mul3A_74 = arith.muli %scan3A_72, %mul3A_73 : i32
        %add3A_75 = arith.constant 0 : i32
        %add3A_76 = arith.addi %add3A_75, %mul3A_74 : i32
        %dma_start3A = arith.constant 0 : i32
        %dma_start3A_77 = tpu.memref_slice %arg7[%add3A_76, %dma_start3A] : memref<25x80xi32, #tpu.memory_space<vmem>> -> memref<1x80xi32, #tpu.memory_space<vmem>>
        %dma_start3A_78 = tpu.memref_squeeze %dma_start3A_77 : memref<1x80xi32, #tpu.memory_space<vmem>> -> memref<80xi32, #tpu.memory_space<vmem>>
        %dma_start3A_79 = arith.constant 0 : i32
        %dma_start3A_80 = arith.constant 0 : i32
        %dma_start3A_81 = tpu.memref_slice %arg2[%dma_start3A_79, %dma_start3A_80] : memref<10240x128xf32, #tpu.memory_space<hbm>> -> memref<10240x128xf32, #tpu.memory_space<hbm>>
        tpu.enqueue_indirect_dma source(%dma_start3A_81 : memref<10240x128xf32, #tpu.memory_space<hbm>>) target(%arg9 : memref<80x128xf32, #tpu.memory_space<vmem>>) offsets(%dma_start3A_78 : memref<80xi32, #tpu.memory_space<vmem>>) semaphore(%arg13 : memref<!tpu.dma_semaphore, #tpu.memory_space<semaphore_mem>>)
        %dma_wait3A = arith.constant 0 : i32
        %dma_wait3A_82 = tpu.memref_slice %arg7[%add3A_76, %dma_wait3A] : memref<25x80xi32, #tpu.memory_space<vmem>> -> memref<1x80xi32, #tpu.memory_space<vmem>>
        %dma_wait3A_83 = tpu.memref_squeeze %dma_wait3A_82 : memref<1x80xi32, #tpu.memory_space<vmem>> -> memref<80xi32, #tpu.memory_space<vmem>>
        %dma_wait3A_84 = arith.constant 0 : i32
        %dma_wait3A_85 = arith.constant 0 : i32
        %dma_wait3A_86 = tpu.memref_slice %arg2[%dma_wait3A_84, %dma_wait3A_85] : memref<10240x128xf32, #tpu.memory_space<hbm>> -> memref<10240x128xf32, #tpu.memory_space<hbm>>
        tpu.wait_indirect_dma semaphore(%arg13 : memref<!tpu.dma_semaphore, #tpu.memory_space<semaphore_mem>>) src(%dma_wait3A_86 : memref<10240x128xf32, #tpu.memory_space<hbm>>) dst(%arg9 : memref<80x128xf32, #tpu.memory_space<vmem>>)
        "tpu.region"() ({
          %run_scoped3A = tpu.sem_alloc : memref<!tpu.dma_semaphore, #tpu.memory_space<semaphore_mem>>
          %dma_start3A_87 = arith.constant 0 : i32
          %dma_start3A_88 = tpu.memref_slice %arg8[%add3A_76, %dma_start3A_87] : memref<25x80xi32, #tpu.memory_space<vmem>> -> memref<1x80xi32, #tpu.memory_space<vmem>>
          %dma_start3A_89 = tpu.memref_squeeze %dma_start3A_88 : memref<1x80xi32, #tpu.memory_space<vmem>> -> memref<80xi32, #tpu.memory_space<vmem>>
          %dma_start3A_90 = arith.constant 0 : i32
          %dma_start3A_91 = arith.constant 0 : i32
          %dma_start3A_92 = tpu.memref_slice %arg11[%dma_start3A_90, %dma_start3A_91] : memref<10240x128xf32, #tpu.memory_space<vmem_shared>> -> memref<10240x128xf32, #tpu.memory_space<vmem_shared>>
          tpu.enqueue_indirect_dma source(%arg9 : memref<80x128xf32, #tpu.memory_space<vmem>>) target(%dma_start3A_92 : memref<10240x128xf32, #tpu.memory_space<vmem_shared>>) offsets(%dma_start3A_89 : memref<80xi32, #tpu.memory_space<vmem>>) semaphore(%run_scoped3A : memref<!tpu.dma_semaphore, #tpu.memory_space<semaphore_mem>>) {add = true}
          %dma_wait3A_93 = arith.constant 0 : i32
          %dma_wait3A_94 = tpu.memref_slice %arg8[%add3A_76, %dma_wait3A_93] : memref<25x80xi32, #tpu.memory_space<vmem>> -> memref<1x80xi32, #tpu.memory_space<vmem>>
          %dma_wait3A_95 = tpu.memref_squeeze %dma_wait3A_94 : memref<1x80xi32, #tpu.memory_space<vmem>> -> memref<80xi32, #tpu.memory_space<vmem>>
          %dma_wait3A_96 = arith.constant 0 : i32
          %dma_wait3A_97 = arith.constant 0 : i32
          %dma_wait3A_98 = tpu.memref_slice %arg11[%dma_wait3A_96, %dma_wait3A_97] : memref<10240x128xf32, #tpu.memory_space<vmem_shared>> -> memref<10240x128xf32, #tpu.memory_space<vmem_shared>>
          tpu.wait_indirect_dma semaphore(%run_scoped3A : memref<!tpu.dma_semaphore, #tpu.memory_space<semaphore_mem>>) src(%arg9 : memref<80x128xf32, #tpu.memory_space<vmem>>) dst(%dma_wait3A_98 : memref<10240x128xf32, #tpu.memory_space<vmem_shared>>)
          tpu.yield
        }) : () -> ()
        "tpu.region"() ({
          %run_scoped3A = tpu.sem_alloc : memref<!tpu.dma_semaphore, #tpu.memory_space<semaphore_mem>>
          %dma_start3A_87 = arith.constant 0 : i32
          %dma_start3A_88 = tpu.memref_slice %arg8[%add3A_76, %dma_start3A_87] : memref<25x80xi32, #tpu.memory_space<vmem>> -> memref<1x80xi32, #tpu.memory_space<vmem>>
          %dma_start3A_89 = tpu.memref_squeeze %dma_start3A_88 : memref<1x80xi32, #tpu.memory_space<vmem>> -> memref<80xi32, #tpu.memory_space<vmem>>
          %dma_start3A_90 = arith.constant 0 : i32
          %dma_start3A_91 = arith.constant 0 : i32
          %dma_start3A_92 = tpu.memref_slice %arg12[%dma_start3A_90, %dma_start3A_91] : memref<10240x16xf32, #tpu.memory_space<vmem_shared>> -> memref<10240x16xf32, #tpu.memory_space<vmem_shared>>
          tpu.enqueue_indirect_dma source(%arg10 : memref<80x16xf32, #tpu.memory_space<vmem>>) target(%dma_start3A_92 : memref<10240x16xf32, #tpu.memory_space<vmem_shared>>) offsets(%dma_start3A_89 : memref<80xi32, #tpu.memory_space<vmem>>) semaphore(%run_scoped3A : memref<!tpu.dma_semaphore, #tpu.memory_space<semaphore_mem>>) {add = true}
          %dma_wait3A_93 = arith.constant 0 : i32
          %dma_wait3A_94 = tpu.memref_slice %arg8[%add3A_76, %dma_wait3A_93] : memref<25x80xi32, #tpu.memory_space<vmem>> -> memref<1x80xi32, #tpu.memory_space<vmem>>
          %dma_wait3A_95 = tpu.memref_squeeze %dma_wait3A_94 : memref<1x80xi32, #tpu.memory_space<vmem>> -> memref<80xi32, #tpu.memory_space<vmem>>
          %dma_wait3A_96 = arith.constant 0 : i32
          %dma_wait3A_97 = arith.constant 0 : i32
          %dma_wait3A_98 = tpu.memref_slice %arg12[%dma_wait3A_96, %dma_wait3A_97] : memref<10240x16xf32, #tpu.memory_space<vmem_shared>> -> memref<10240x16xf32, #tpu.memory_space<vmem_shared>>
          tpu.wait_indirect_dma semaphore(%run_scoped3A : memref<!tpu.dma_semaphore, #tpu.memory_space<semaphore_mem>>) src(%arg10 : memref<80x16xf32, #tpu.memory_space<vmem>>) dst(%dma_wait3A_98 : memref<10240x16xf32, #tpu.memory_space<vmem_shared>>)
          tpu.yield
        }) : () -> ()
      }
      %scan3A_71 = arith.constant 25 : i32
    }
    %scan3A_56 = arith.constant 5 : i32
    %barrier3A_57 = arith.constant 0 : index
    tpu.barrier barrier_id(%barrier3A_57)
    "tpu.region"() ({
      %run_scoped3A = tpu.sem_alloc : memref<!tpu.dma_semaphore, #tpu.memory_space<semaphore_mem>>
      %dma_start3A = arith.constant 0 : i32
      %dma_start3A_58 = tpu.memref_slice %arg5[%arg0, %mul3A_7, %dma_start3A] : memref<2x10240x128xf32, #tpu.memory_space<hbm>> -> memref<1x640x128xf32, #tpu.memory_space<hbm>>
      %dma_start3A_59 = tpu.memref_squeeze %dma_start3A_58 : memref<1x640x128xf32, #tpu.memory_space<hbm>> -> memref<640x128xf32, #tpu.memory_space<hbm>>
      %dma_start3A_60 = arith.constant 0 : i32
      %dma_start3A_61 = tpu.memref_slice %arg11[%mul3A_7, %dma_start3A_60] : memref<10240x128xf32, #tpu.memory_space<vmem_shared>> -> memref<640x128xf32, #tpu.memory_space<vmem_shared>>
      tpu.enqueue_dma source(%dma_start3A_61 : memref<640x128xf32, #tpu.memory_space<vmem_shared>>) target(%dma_start3A_59 : memref<640x128xf32, #tpu.memory_space<hbm>>) target_semaphore(%run_scoped3A : memref<!tpu.dma_semaphore, #tpu.memory_space<semaphore_mem>>)
      %dma_wait3A = arith.constant 0 : i32
      %dma_wait3A_62 = tpu.memref_slice %arg5[%arg0, %mul3A_7, %dma_wait3A] : memref<2x10240x128xf32, #tpu.memory_space<hbm>> -> memref<1x640x128xf32, #tpu.memory_space<hbm>>
      %dma_wait3A_63 = tpu.memref_squeeze %dma_wait3A_62 : memref<1x640x128xf32, #tpu.memory_space<hbm>> -> memref<640x128xf32, #tpu.memory_space<hbm>>
      %dma_wait3A_64 = arith.constant 0 : i32
      %dma_wait3A_65 = tpu.memref_slice %arg11[%mul3A_7, %dma_wait3A_64] : memref<10240x128xf32, #tpu.memory_space<vmem_shared>> -> memref<640x128xf32, #tpu.memory_space<vmem_shared>>
      tpu.wait_dma2 semaphore(%run_scoped3A : memref<!tpu.dma_semaphore, #tpu.memory_space<semaphore_mem>>) src(%dma_wait3A_65 : memref<640x128xf32, #tpu.memory_space<vmem_shared>>) dst(%dma_wait3A_63 : memref<640x128xf32, #tpu.memory_space<hbm>>)
      tpu.yield
    }) : () -> ()
    "tpu.region"() ({
      %run_scoped3A = tpu.sem_alloc : memref<!tpu.dma_semaphore, #tpu.memory_space<semaphore_mem>>
      %dma_start3A = arith.constant 0 : i32
      %dma_start3A_58 = tpu.memref_slice %arg6[%arg0, %mul3A_7, %dma_start3A] : memref<2x10240x16xf32, #tpu.memory_space<hbm>> -> memref<1x640x16xf32, #tpu.memory_space<hbm>>
      %dma_start3A_59 = tpu.memref_squeeze %dma_start3A_58 : memref<1x640x16xf32, #tpu.memory_space<hbm>> -> memref<640x16xf32, #tpu.memory_space<hbm>>
      %dma_start3A_60 = arith.constant 0 : i32
      %dma_start3A_61 = tpu.memref_slice %arg12[%mul3A_7, %dma_start3A_60] : memref<10240x16xf32, #tpu.memory_space<vmem_shared>> -> memref<640x16xf32, #tpu.memory_space<vmem_shared>>
      tpu.enqueue_dma source(%dma_start3A_61 : memref<640x16xf32, #tpu.memory_space<vmem_shared>>) target(%dma_start3A_59 : memref<640x16xf32, #tpu.memory_space<hbm>>) target_semaphore(%run_scoped3A : memref<!tpu.dma_semaphore, #tpu.memory_space<semaphore_mem>>)
      %dma_wait3A = arith.constant 0 : i32
      %dma_wait3A_62 = tpu.memref_slice %arg6[%arg0, %mul3A_7, %dma_wait3A] : memref<2x10240x16xf32, #tpu.memory_space<hbm>> -> memref<1x640x16xf32, #tpu.memory_space<hbm>>
      %dma_wait3A_63 = tpu.memref_squeeze %dma_wait3A_62 : memref<1x640x16xf32, #tpu.memory_space<hbm>> -> memref<640x16xf32, #tpu.memory_space<hbm>>
      %dma_wait3A_64 = arith.constant 0 : i32
      %dma_wait3A_65 = tpu.memref_slice %arg12[%mul3A_7, %dma_wait3A_64] : memref<10240x16xf32, #tpu.memory_space<vmem_shared>> -> memref<640x16xf32, #tpu.memory_space<vmem_shared>>
      tpu.wait_dma2 semaphore(%run_scoped3A : memref<!tpu.dma_semaphore, #tpu.memory_space<semaphore_mem>>) src(%dma_wait3A_65 : memref<640x16xf32, #tpu.memory_space<vmem_shared>>) dst(%dma_wait3A_63 : memref<640x16xf32, #tpu.memory_space<hbm>>)
      tpu.yield
    }) : () -> ()
    return
  }
}

#map = affine_map<(d0, d1) -> (0, 0)>
#map1 = affine_map<(d0, d1) -> (0, 0, 0)>
module attributes {stable_mosaic.version = 14 : i64} {
  func.func @body(%arg0: i32, %arg1: i32, %arg2: memref<10240x128xf32, #tpu.memory_space<hbm>>, %arg3: memref<32x125x80xi32, #tpu.memory_space<hbm>>, %arg4: memref<32x125x80xi32, #tpu.memory_space<hbm>>, %arg5: memref<2x10240x128xf32, #tpu.memory_space<hbm>>, %arg6: memref<25x80xi32, #tpu.memory_space<vmem>>, %arg7: memref<25x80xi32, #tpu.memory_space<vmem>>, %arg8: memref<80x128xf32, #tpu.memory_space<vmem>>, %arg9: memref<10240x128xf32, #tpu.memory_space<vmem_shared>>, %arg10: memref<!tpu.dma_semaphore, #tpu.memory_space<semaphore_mem>>) attributes {dimension_semantics = [#tpu.dimension_semantics<core_parallel>, #tpu.dimension_semantics<subcore_parallel>], iteration_bounds = array<i64: 2, 16>, scalar_prefetch = 0 : i64, scratch_operands = 5 : i64, tpu.core_type = #tpu.core_type<sc_vector_subcore>, window_params = [{transform_indices = #map}, {transform_indices = #map1}, {transform_indices = #map1}, {transform_indices = #map1}]} {
    %mul3A = arith.constant 16 : i32
    %mul3A_0 = arith.muli %arg0, %mul3A : i32
    %add3A = arith.addi %mul3A_0, %arg1 : i32
    %broadcast_in_dim3A = arith.constant 0.000000e+00 : f32
    %broadcast_in_dim3A_1 = vector.broadcast %broadcast_in_dim3A : f32 to vector<16xf32>
    %scan3A = arith.constant 0 : i32
    %scan3A_2 = arith.constant 80 : i32
    %scan3A_3 = arith.addi %scan3A, %scan3A_2 : i32
    %scan3A_4 = arith.constant 1 : i32
    scf.for %scan3A_30 = %scan3A to %scan3A_3 step %scan3A_4  : i32 {
      %mul3A_31 = arith.constant 1 : i32
      %mul3A_32 = arith.muli %scan3A_30, %mul3A_31 : i32
      %add3A_33 = arith.constant 0 : i32
      %add3A_34 = arith.addi %add3A_33, %mul3A_32 : i32
      %swap3A = arith.index_cast %add3A_34 : i32 to index
      %swap3A_35 = arith.constant 0 : index
      %swap3A_36 = tpu.vector_load %arg8[%swap3A, %swap3A_35] {strides = array<i32>} : memref<80x128xf32, #tpu.memory_space<vmem>>, vector<1x16xf32>,
      %swap3A_37 = vector.shape_cast %swap3A_36 : vector<1x16xf32> to vector<16xf32>
      %swap3A_38 = vector.shape_cast %broadcast_in_dim3A_1 : vector<16xf32> to vector<1x16xf32>
      tpu.vector_store %arg8[%swap3A, %swap3A_35], %swap3A_38 {strides = array<i32>} : memref<80x128xf32, #tpu.memory_space<vmem>>, vector<1x16xf32>,
      %swap3A_39 = arith.index_cast %add3A_34 : i32 to index
      %swap3A_40 = arith.constant 16 : index
      %swap3A_41 = tpu.vector_load %arg8[%swap3A_39, %swap3A_40] {strides = array<i32>} : memref<80x128xf32, #tpu.memory_space<vmem>>, vector<1x16xf32>,
      %swap3A_42 = vector.shape_cast %swap3A_41 : vector<1x16xf32> to vector<16xf32>
      %swap3A_43 = vector.shape_cast %broadcast_in_dim3A_1 : vector<16xf32> to vector<1x16xf32>
      tpu.vector_store %arg8[%swap3A_39, %swap3A_40], %swap3A_43 {strides = array<i32>} : memref<80x128xf32, #tpu.memory_space<vmem>>, vector<1x16xf32>,
      %swap3A_44 = arith.index_cast %add3A_34 : i32 to index
      %swap3A_45 = arith.constant 32 : index
      %swap3A_46 = tpu.vector_load %arg8[%swap3A_44, %swap3A_45] {strides = array<i32>} : memref<80x128xf32, #tpu.memory_space<vmem>>, vector<1x16xf32>,
      %swap3A_47 = vector.shape_cast %swap3A_46 : vector<1x16xf32> to vector<16xf32>
      %swap3A_48 = vector.shape_cast %broadcast_in_dim3A_1 : vector<16xf32> to vector<1x16xf32>
      tpu.vector_store %arg8[%swap3A_44, %swap3A_45], %swap3A_48 {strides = array<i32>} : memref<80x128xf32, #tpu.memory_space<vmem>>, vector<1x16xf32>,
      %swap3A_49 = arith.index_cast %add3A_34 : i32 to index
      %swap3A_50 = arith.constant 48 : index
      %swap3A_51 = tpu.vector_load %arg8[%swap3A_49, %swap3A_50] {strides = array<i32>} : memref<80x128xf32, #tpu.memory_space<vmem>>, vector<1x16xf32>,
      %swap3A_52 = vector.shape_cast %swap3A_51 : vector<1x16xf32> to vector<16xf32>
      %swap3A_53 = vector.shape_cast %broadcast_in_dim3A_1 : vector<16xf32> to vector<1x16xf32>
      tpu.vector_store %arg8[%swap3A_49, %swap3A_50], %swap3A_53 {strides = array<i32>} : memref<80x128xf32, #tpu.memory_space<vmem>>, vector<1x16xf32>,
      %swap3A_54 = arith.index_cast %add3A_34 : i32 to index
      %swap3A_55 = arith.constant 64 : index
      %swap3A_56 = tpu.vector_load %arg8[%swap3A_54, %swap3A_55] {strides = array<i32>} : memref<80x128xf32, #tpu.memory_space<vmem>>, vector<1x16xf32>,
      %swap3A_57 = vector.shape_cast %swap3A_56 : vector<1x16xf32> to vector<16xf32>
      %swap3A_58 = vector.shape_cast %broadcast_in_dim3A_1 : vector<16xf32> to vector<1x16xf32>
      tpu.vector_store %arg8[%swap3A_54, %swap3A_55], %swap3A_58 {strides = array<i32>} : memref<80x128xf32, #tpu.memory_space<vmem>>, vector<1x16xf32>,
      %swap3A_59 = arith.index_cast %add3A_34 : i32 to index
      %swap3A_60 = arith.constant 80 : index
      %swap3A_61 = tpu.vector_load %arg8[%swap3A_59, %swap3A_60] {strides = array<i32>} : memref<80x128xf32, #tpu.memory_space<vmem>>, vector<1x16xf32>,
      %swap3A_62 = vector.shape_cast %swap3A_61 : vector<1x16xf32> to vector<16xf32>
      %swap3A_63 = vector.shape_cast %broadcast_in_dim3A_1 : vector<16xf32> to vector<1x16xf32>
      tpu.vector_store %arg8[%swap3A_59, %swap3A_60], %swap3A_63 {strides = array<i32>} : memref<80x128xf32, #tpu.memory_space<vmem>>, vector<1x16xf32>,
      %swap3A_64 = arith.index_cast %add3A_34 : i32 to index
      %swap3A_65 = arith.constant 96 : index
      %swap3A_66 = tpu.vector_load %arg8[%swap3A_64, %swap3A_65] {strides = array<i32>} : memref<80x128xf32, #tpu.memory_space<vmem>>, vector<1x16xf32>,
      %swap3A_67 = vector.shape_cast %swap3A_66 : vector<1x16xf32> to vector<16xf32>
      %swap3A_68 = vector.shape_cast %broadcast_in_dim3A_1 : vector<16xf32> to vector<1x16xf32>
      tpu.vector_store %arg8[%swap3A_64, %swap3A_65], %swap3A_68 {strides = array<i32>} : memref<80x128xf32, #tpu.memory_space<vmem>>, vector<1x16xf32>,
      %swap3A_69 = arith.index_cast %add3A_34 : i32 to index
      %swap3A_70 = arith.constant 112 : index
      %swap3A_71 = tpu.vector_load %arg8[%swap3A_69, %swap3A_70] {strides = array<i32>} : memref<80x128xf32, #tpu.memory_space<vmem>>, vector<1x16xf32>,
      %swap3A_72 = vector.shape_cast %swap3A_71 : vector<1x16xf32> to vector<16xf32>
      %swap3A_73 = vector.shape_cast %broadcast_in_dim3A_1 : vector<16xf32> to vector<1x16xf32>
      tpu.vector_store %arg8[%swap3A_69, %swap3A_70], %swap3A_73 {strides = array<i32>} : memref<80x128xf32, #tpu.memory_space<vmem>>, vector<1x16xf32>,
    }
    %scan3A_5 = arith.constant 80 : i32
    %mul3A_6 = arith.constant 640 : i32
    %mul3A_7 = arith.muli %arg1, %mul3A_6 : i32
    %add3A_8 = arith.constant 0 : i32
    %add3A_9 = arith.addi %mul3A_7, %add3A_8 : i32
    "tpu.region"() ({
      %run_scoped3A = tpu.sem_alloc : memref<!tpu.dma_semaphore, #tpu.memory_space<semaphore_mem>>
      %dma_start3A = arith.constant 0 : i32
      %dma_start3A_30 = tpu.memref_slice %arg9[%add3A_9, %dma_start3A] : memref<10240x128xf32, #tpu.memory_space<vmem_shared>> -> memref<80x128xf32, #tpu.memory_space<vmem_shared>>
      %dma_start3A_31 = arith.constant 0 : i32
      %dma_start3A_32 = tpu.memref_slice %arg9[%add3A_9, %dma_start3A_31] : memref<10240x128xf32, #tpu.memory_space<vmem_shared>> -> memref<80x128xf32, #tpu.memory_space<vmem_shared>>
      tpu.enqueue_dma source(%arg8 : memref<80x128xf32, #tpu.memory_space<vmem>>) target(%dma_start3A_32 : memref<80x128xf32, #tpu.memory_space<vmem_shared>>) target_semaphore(%run_scoped3A : memref<!tpu.dma_semaphore, #tpu.memory_space<semaphore_mem>>)
      %dma_wait3A = arith.constant 0 : i32
      %dma_wait3A_33 = tpu.memref_slice %arg9[%add3A_9, %dma_wait3A] : memref<10240x128xf32, #tpu.memory_space<vmem_shared>> -> memref<80x128xf32, #tpu.memory_space<vmem_shared>>
      %dma_wait3A_34 = arith.constant 0 : i32
      %dma_wait3A_35 = tpu.memref_slice %arg9[%add3A_9, %dma_wait3A_34] : memref<10240x128xf32, #tpu.memory_space<vmem_shared>> -> memref<80x128xf32, #tpu.memory_space<vmem_shared>>
      tpu.wait_dma2 semaphore(%run_scoped3A : memref<!tpu.dma_semaphore, #tpu.memory_space<semaphore_mem>>) src(%arg8 : memref<80x128xf32, #tpu.memory_space<vmem>>) dst(%dma_wait3A_35 : memref<80x128xf32, #tpu.memory_space<vmem_shared>>)
      tpu.yield
    }) : () -> ()
    %add3A_10 = arith.constant 80 : i32
    %add3A_11 = arith.addi %mul3A_7, %add3A_10 : i32
    "tpu.region"() ({
      %run_scoped3A = tpu.sem_alloc : memref<!tpu.dma_semaphore, #tpu.memory_space<semaphore_mem>>
      %dma_start3A = arith.constant 0 : i32
      %dma_start3A_30 = tpu.memref_slice %arg9[%add3A_11, %dma_start3A] : memref<10240x128xf32, #tpu.memory_space<vmem_shared>> -> memref<80x128xf32, #tpu.memory_space<vmem_shared>>
      %dma_start3A_31 = arith.constant 0 : i32
      %dma_start3A_32 = tpu.memref_slice %arg9[%add3A_11, %dma_start3A_31] : memref<10240x128xf32, #tpu.memory_space<vmem_shared>> -> memref<80x128xf32, #tpu.memory_space<vmem_shared>>
      tpu.enqueue_dma source(%arg8 : memref<80x128xf32, #tpu.memory_space<vmem>>) target(%dma_start3A_32 : memref<80x128xf32, #tpu.memory_space<vmem_shared>>) target_semaphore(%run_scoped3A : memref<!tpu.dma_semaphore, #tpu.memory_space<semaphore_mem>>)
      %dma_wait3A = arith.constant 0 : i32
      %dma_wait3A_33 = tpu.memref_slice %arg9[%add3A_11, %dma_wait3A] : memref<10240x128xf32, #tpu.memory_space<vmem_shared>> -> memref<80x128xf32, #tpu.memory_space<vmem_shared>>
      %dma_wait3A_34 = arith.constant 0 : i32
      %dma_wait3A_35 = tpu.memref_slice %arg9[%add3A_11, %dma_wait3A_34] : memref<10240x128xf32, #tpu.memory_space<vmem_shared>> -> memref<80x128xf32, #tpu.memory_space<vmem_shared>>
      tpu.wait_dma2 semaphore(%run_scoped3A : memref<!tpu.dma_semaphore, #tpu.memory_space<semaphore_mem>>) src(%arg8 : memref<80x128xf32, #tpu.memory_space<vmem>>) dst(%dma_wait3A_35 : memref<80x128xf32, #tpu.memory_space<vmem_shared>>)
      tpu.yield
    }) : () -> ()
    %add3A_12 = arith.constant 160 : i32
    %add3A_13 = arith.addi %mul3A_7, %add3A_12 : i32
    "tpu.region"() ({
      %run_scoped3A = tpu.sem_alloc : memref<!tpu.dma_semaphore, #tpu.memory_space<semaphore_mem>>
      %dma_start3A = arith.constant 0 : i32
      %dma_start3A_30 = tpu.memref_slice %arg9[%add3A_13, %dma_start3A] : memref<10240x128xf32, #tpu.memory_space<vmem_shared>> -> memref<80x128xf32, #tpu.memory_space<vmem_shared>>
      %dma_start3A_31 = arith.constant 0 : i32
      %dma_start3A_32 = tpu.memref_slice %arg9[%add3A_13, %dma_start3A_31] : memref<10240x128xf32, #tpu.memory_space<vmem_shared>> -> memref<80x128xf32, #tpu.memory_space<vmem_shared>>
      tpu.enqueue_dma source(%arg8 : memref<80x128xf32, #tpu.memory_space<vmem>>) target(%dma_start3A_32 : memref<80x128xf32, #tpu.memory_space<vmem_shared>>) target_semaphore(%run_scoped3A : memref<!tpu.dma_semaphore, #tpu.memory_space<semaphore_mem>>)
      %dma_wait3A = arith.constant 0 : i32
      %dma_wait3A_33 = tpu.memref_slice %arg9[%add3A_13, %dma_wait3A] : memref<10240x128xf32, #tpu.memory_space<vmem_shared>> -> memref<80x128xf32, #tpu.memory_space<vmem_shared>>
      %dma_wait3A_34 = arith.constant 0 : i32
      %dma_wait3A_35 = tpu.memref_slice %arg9[%add3A_13, %dma_wait3A_34] : memref<10240x128xf32, #tpu.memory_space<vmem_shared>> -> memref<80x128xf32, #tpu.memory_space<vmem_shared>>
      tpu.wait_dma2 semaphore(%run_scoped3A : memref<!tpu.dma_semaphore, #tpu.memory_space<semaphore_mem>>) src(%arg8 : memref<80x128xf32, #tpu.memory_space<vmem>>) dst(%dma_wait3A_35 : memref<80x128xf32, #tpu.memory_space<vmem_shared>>)
      tpu.yield
    }) : () -> ()
    %add3A_14 = arith.constant 240 : i32
    %add3A_15 = arith.addi %mul3A_7, %add3A_14 : i32
    "tpu.region"() ({
      %run_scoped3A = tpu.sem_alloc : memref<!tpu.dma_semaphore, #tpu.memory_space<semaphore_mem>>
      %dma_start3A = arith.constant 0 : i32
      %dma_start3A_30 = tpu.memref_slice %arg9[%add3A_15, %dma_start3A] : memref<10240x128xf32, #tpu.memory_space<vmem_shared>> -> memref<80x128xf32, #tpu.memory_space<vmem_shared>>
      %dma_start3A_31 = arith.constant 0 : i32
      %dma_start3A_32 = tpu.memref_slice %arg9[%add3A_15, %dma_start3A_31] : memref<10240x128xf32, #tpu.memory_space<vmem_shared>> -> memref<80x128xf32, #tpu.memory_space<vmem_shared>>
      tpu.enqueue_dma source(%arg8 : memref<80x128xf32, #tpu.memory_space<vmem>>) target(%dma_start3A_32 : memref<80x128xf32, #tpu.memory_space<vmem_shared>>) target_semaphore(%run_scoped3A : memref<!tpu.dma_semaphore, #tpu.memory_space<semaphore_mem>>)
      %dma_wait3A = arith.constant 0 : i32
      %dma_wait3A_33 = tpu.memref_slice %arg9[%add3A_15, %dma_wait3A] : memref<10240x128xf32, #tpu.memory_space<vmem_shared>> -> memref<80x128xf32, #tpu.memory_space<vmem_shared>>
      %dma_wait3A_34 = arith.constant 0 : i32
      %dma_wait3A_35 = tpu.memref_slice %arg9[%add3A_15, %dma_wait3A_34] : memref<10240x128xf32, #tpu.memory_space<vmem_shared>> -> memref<80x128xf32, #tpu.memory_space<vmem_shared>>
      tpu.wait_dma2 semaphore(%run_scoped3A : memref<!tpu.dma_semaphore, #tpu.memory_space<semaphore_mem>>) src(%arg8 : memref<80x128xf32, #tpu.memory_space<vmem>>) dst(%dma_wait3A_35 : memref<80x128xf32, #tpu.memory_space<vmem_shared>>)
      tpu.yield
    }) : () -> ()
    %add3A_16 = arith.constant 320 : i32
    %add3A_17 = arith.addi %mul3A_7, %add3A_16 : i32
    "tpu.region"() ({
      %run_scoped3A = tpu.sem_alloc : memref<!tpu.dma_semaphore, #tpu.memory_space<semaphore_mem>>
      %dma_start3A = arith.constant 0 : i32
      %dma_start3A_30 = tpu.memref_slice %arg9[%add3A_17, %dma_start3A] : memref<10240x128xf32, #tpu.memory_space<vmem_shared>> -> memref<80x128xf32, #tpu.memory_space<vmem_shared>>
      %dma_start3A_31 = arith.constant 0 : i32
      %dma_start3A_32 = tpu.memref_slice %arg9[%add3A_17, %dma_start3A_31] : memref<10240x128xf32, #tpu.memory_space<vmem_shared>> -> memref<80x128xf32, #tpu.memory_space<vmem_shared>>
      tpu.enqueue_dma source(%arg8 : memref<80x128xf32, #tpu.memory_space<vmem>>) target(%dma_start3A_32 : memref<80x128xf32, #tpu.memory_space<vmem_shared>>) target_semaphore(%run_scoped3A : memref<!tpu.dma_semaphore, #tpu.memory_space<semaphore_mem>>)
      %dma_wait3A = arith.constant 0 : i32
      %dma_wait3A_33 = tpu.memref_slice %arg9[%add3A_17, %dma_wait3A] : memref<10240x128xf32, #tpu.memory_space<vmem_shared>> -> memref<80x128xf32, #tpu.memory_space<vmem_shared>>
      %dma_wait3A_34 = arith.constant 0 : i32
      %dma_wait3A_35 = tpu.memref_slice %arg9[%add3A_17, %dma_wait3A_34] : memref<10240x128xf32, #tpu.memory_space<vmem_shared>> -> memref<80x128xf32, #tpu.memory_space<vmem_shared>>
      tpu.wait_dma2 semaphore(%run_scoped3A : memref<!tpu.dma_semaphore, #tpu.memory_space<semaphore_mem>>) src(%arg8 : memref<80x128xf32, #tpu.memory_space<vmem>>) dst(%dma_wait3A_35 : memref<80x128xf32, #tpu.memory_space<vmem_shared>>)
      tpu.yield
    }) : () -> ()
    %add3A_18 = arith.constant 400 : i32
    %add3A_19 = arith.addi %mul3A_7, %add3A_18 : i32
    "tpu.region"() ({
      %run_scoped3A = tpu.sem_alloc : memref<!tpu.dma_semaphore, #tpu.memory_space<semaphore_mem>>
      %dma_start3A = arith.constant 0 : i32
      %dma_start3A_30 = tpu.memref_slice %arg9[%add3A_19, %dma_start3A] : memref<10240x128xf32, #tpu.memory_space<vmem_shared>> -> memref<80x128xf32, #tpu.memory_space<vmem_shared>>
      %dma_start3A_31 = arith.constant 0 : i32
      %dma_start3A_32 = tpu.memref_slice %arg9[%add3A_19, %dma_start3A_31] : memref<10240x128xf32, #tpu.memory_space<vmem_shared>> -> memref<80x128xf32, #tpu.memory_space<vmem_shared>>
      tpu.enqueue_dma source(%arg8 : memref<80x128xf32, #tpu.memory_space<vmem>>) target(%dma_start3A_32 : memref<80x128xf32, #tpu.memory_space<vmem_shared>>) target_semaphore(%run_scoped3A : memref<!tpu.dma_semaphore, #tpu.memory_space<semaphore_mem>>)
      %dma_wait3A = arith.constant 0 : i32
      %dma_wait3A_33 = tpu.memref_slice %arg9[%add3A_19, %dma_wait3A] : memref<10240x128xf32, #tpu.memory_space<vmem_shared>> -> memref<80x128xf32, #tpu.memory_space<vmem_shared>>
      %dma_wait3A_34 = arith.constant 0 : i32
      %dma_wait3A_35 = tpu.memref_slice %arg9[%add3A_19, %dma_wait3A_34] : memref<10240x128xf32, #tpu.memory_space<vmem_shared>> -> memref<80x128xf32, #tpu.memory_space<vmem_shared>>
      tpu.wait_dma2 semaphore(%run_scoped3A : memref<!tpu.dma_semaphore, #tpu.memory_space<semaphore_mem>>) src(%arg8 : memref<80x128xf32, #tpu.memory_space<vmem>>) dst(%dma_wait3A_35 : memref<80x128xf32, #tpu.memory_space<vmem_shared>>)
      tpu.yield
    }) : () -> ()
    %add3A_20 = arith.constant 480 : i32
    %add3A_21 = arith.addi %mul3A_7, %add3A_20 : i32
    "tpu.region"() ({
      %run_scoped3A = tpu.sem_alloc : memref<!tpu.dma_semaphore, #tpu.memory_space<semaphore_mem>>
      %dma_start3A = arith.constant 0 : i32
      %dma_start3A_30 = tpu.memref_slice %arg9[%add3A_21, %dma_start3A] : memref<10240x128xf32, #tpu.memory_space<vmem_shared>> -> memref<80x128xf32, #tpu.memory_space<vmem_shared>>
      %dma_start3A_31 = arith.constant 0 : i32
      %dma_start3A_32 = tpu.memref_slice %arg9[%add3A_21, %dma_start3A_31] : memref<10240x128xf32, #tpu.memory_space<vmem_shared>> -> memref<80x128xf32, #tpu.memory_space<vmem_shared>>
      tpu.enqueue_dma source(%arg8 : memref<80x128xf32, #tpu.memory_space<vmem>>) target(%dma_start3A_32 : memref<80x128xf32, #tpu.memory_space<vmem_shared>>) target_semaphore(%run_scoped3A : memref<!tpu.dma_semaphore, #tpu.memory_space<semaphore_mem>>)
      %dma_wait3A = arith.constant 0 : i32
      %dma_wait3A_33 = tpu.memref_slice %arg9[%add3A_21, %dma_wait3A] : memref<10240x128xf32, #tpu.memory_space<vmem_shared>> -> memref<80x128xf32, #tpu.memory_space<vmem_shared>>
      %dma_wait3A_34 = arith.constant 0 : i32
      %dma_wait3A_35 = tpu.memref_slice %arg9[%add3A_21, %dma_wait3A_34] : memref<10240x128xf32, #tpu.memory_space<vmem_shared>> -> memref<80x128xf32, #tpu.memory_space<vmem_shared>>
      tpu.wait_dma2 semaphore(%run_scoped3A : memref<!tpu.dma_semaphore, #tpu.memory_space<semaphore_mem>>) src(%arg8 : memref<80x128xf32, #tpu.memory_space<vmem>>) dst(%dma_wait3A_35 : memref<80x128xf32, #tpu.memory_space<vmem_shared>>)
      tpu.yield
    }) : () -> ()
    %add3A_22 = arith.constant 560 : i32
    %add3A_23 = arith.addi %mul3A_7, %add3A_22 : i32
    "tpu.region"() ({
      %run_scoped3A = tpu.sem_alloc : memref<!tpu.dma_semaphore, #tpu.memory_space<semaphore_mem>>
      %dma_start3A = arith.constant 0 : i32
      %dma_start3A_30 = tpu.memref_slice %arg9[%add3A_23, %dma_start3A] : memref<10240x128xf32, #tpu.memory_space<vmem_shared>> -> memref<80x128xf32, #tpu.memory_space<vmem_shared>>
      %dma_start3A_31 = arith.constant 0 : i32
      %dma_start3A_32 = tpu.memref_slice %arg9[%add3A_23, %dma_start3A_31] : memref<10240x128xf32, #tpu.memory_space<vmem_shared>> -> memref<80x128xf32, #tpu.memory_space<vmem_shared>>
      tpu.enqueue_dma source(%arg8 : memref<80x128xf32, #tpu.memory_space<vmem>>) target(%dma_start3A_32 : memref<80x128xf32, #tpu.memory_space<vmem_shared>>) target_semaphore(%run_scoped3A : memref<!tpu.dma_semaphore, #tpu.memory_space<semaphore_mem>>)
      %dma_wait3A = arith.constant 0 : i32
      %dma_wait3A_33 = tpu.memref_slice %arg9[%add3A_23, %dma_wait3A] : memref<10240x128xf32, #tpu.memory_space<vmem_shared>> -> memref<80x128xf32, #tpu.memory_space<vmem_shared>>
      %dma_wait3A_34 = arith.constant 0 : i32
      %dma_wait3A_35 = tpu.memref_slice %arg9[%add3A_23, %dma_wait3A_34] : memref<10240x128xf32, #tpu.memory_space<vmem_shared>> -> memref<80x128xf32, #tpu.memory_space<vmem_shared>>
      tpu.wait_dma2 semaphore(%run_scoped3A : memref<!tpu.dma_semaphore, #tpu.memory_space<semaphore_mem>>) src(%arg8 : memref<80x128xf32, #tpu.memory_space<vmem>>) dst(%dma_wait3A_35 : memref<80x128xf32, #tpu.memory_space<vmem_shared>>)
      tpu.yield
    }) : () -> ()
    %barrier3A = arith.constant 0 : index
    tpu.barrier barrier_id(%barrier3A)
    %scan3A_24 = arith.constant 0 : i32
    %scan3A_25 = arith.constant 5 : i32
    %scan3A_26 = arith.addi %scan3A_24, %scan3A_25 : i32
    %scan3A_27 = arith.constant 1 : i32
    scf.for %scan3A_30 = %scan3A_24 to %scan3A_26 step %scan3A_27  : i32 {
      %mul3A_31 = arith.constant 1 : i32
      %mul3A_32 = arith.muli %scan3A_30, %mul3A_31 : i32
      %add3A_33 = arith.constant 0 : i32
      %add3A_34 = arith.addi %add3A_33, %mul3A_32 : i32
      %mul3A_35 = arith.constant 25 : i32
      %mul3A_36 = arith.muli %add3A_34, %mul3A_35 : i32
      "tpu.region"() ({
        %run_scoped3A = tpu.sem_alloc : memref<!tpu.dma_semaphore, #tpu.memory_space<semaphore_mem>>
        %dma_start3A = arith.constant 0 : i32
        %dma_start3A_44 = tpu.memref_slice %arg3[%add3A, %mul3A_36, %dma_start3A] : memref<32x125x80xi32, #tpu.memory_space<hbm>> -> memref<1x25x80xi32, #tpu.memory_space<hbm>>
        %dma_start3A_45 = tpu.memref_squeeze %dma_start3A_44 : memref<1x25x80xi32, #tpu.memory_space<hbm>> -> memref<25x80xi32, #tpu.memory_space<hbm>>
        %dma_start3A_46 = arith.constant 0 : i32
        %dma_start3A_47 = tpu.memref_slice %arg3[%add3A, %mul3A_36, %dma_start3A_46] : memref<32x125x80xi32, #tpu.memory_space<hbm>> -> memref<1x25x80xi32, #tpu.memory_space<hbm>>
        %dma_start3A_48 = tpu.memref_squeeze %dma_start3A_47 : memref<1x25x80xi32, #tpu.memory_space<hbm>> -> memref<25x80xi32, #tpu.memory_space<hbm>>
        tpu.enqueue_dma source(%dma_start3A_48 : memref<25x80xi32, #tpu.memory_space<hbm>>) target(%arg6 : memref<25x80xi32, #tpu.memory_space<vmem>>) target_semaphore(%run_scoped3A : memref<!tpu.dma_semaphore, #tpu.memory_space<semaphore_mem>>)
        %dma_wait3A = arith.constant 0 : i32
        %dma_wait3A_49 = tpu.memref_slice %arg3[%add3A, %mul3A_36, %dma_wait3A] : memref<32x125x80xi32, #tpu.memory_space<hbm>> -> memref<1x25x80xi32, #tpu.memory_space<hbm>>
        %dma_wait3A_50 = tpu.memref_squeeze %dma_wait3A_49 : memref<1x25x80xi32, #tpu.memory_space<hbm>> -> memref<25x80xi32, #tpu.memory_space<hbm>>
        %dma_wait3A_51 = arith.constant 0 : i32
        %dma_wait3A_52 = tpu.memref_slice %arg3[%add3A, %mul3A_36, %dma_wait3A_51] : memref<32x125x80xi32, #tpu.memory_space<hbm>> -> memref<1x25x80xi32, #tpu.memory_space<hbm>>
        %dma_wait3A_53 = tpu.memref_squeeze %dma_wait3A_52 : memref<1x25x80xi32, #tpu.memory_space<hbm>> -> memref<25x80xi32, #tpu.memory_space<hbm>>
        tpu.wait_dma2 semaphore(%run_scoped3A : memref<!tpu.dma_semaphore, #tpu.memory_space<semaphore_mem>>) src(%dma_wait3A_53 : memref<25x80xi32, #tpu.memory_space<hbm>>) dst(%arg6 : memref<25x80xi32, #tpu.memory_space<vmem>>)
        tpu.yield
      }) : () -> ()
      %mul3A_37 = arith.constant 25 : i32
      %mul3A_38 = arith.muli %add3A_34, %mul3A_37 : i32
      "tpu.region"() ({
        %run_scoped3A = tpu.sem_alloc : memref<!tpu.dma_semaphore, #tpu.memory_space<semaphore_mem>>
        %dma_start3A = arith.constant 0 : i32
        %dma_start3A_44 = tpu.memref_slice %arg4[%add3A, %mul3A_38, %dma_start3A] : memref<32x125x80xi32, #tpu.memory_space<hbm>> -> memref<1x25x80xi32, #tpu.memory_space<hbm>>
        %dma_start3A_45 = tpu.memref_squeeze %dma_start3A_44 : memref<1x25x80xi32, #tpu.memory_space<hbm>> -> memref<25x80xi32, #tpu.memory_space<hbm>>
        %dma_start3A_46 = arith.constant 0 : i32
        %dma_start3A_47 = tpu.memref_slice %arg4[%add3A, %mul3A_38, %dma_start3A_46] : memref<32x125x80xi32, #tpu.memory_space<hbm>> -> memref<1x25x80xi32, #tpu.memory_space<hbm>>
        %dma_start3A_48 = tpu.memref_squeeze %dma_start3A_47 : memref<1x25x80xi32, #tpu.memory_space<hbm>> -> memref<25x80xi32, #tpu.memory_space<hbm>>
        tpu.enqueue_dma source(%dma_start3A_48 : memref<25x80xi32, #tpu.memory_space<hbm>>) target(%arg7 : memref<25x80xi32, #tpu.memory_space<vmem>>) target_semaphore(%run_scoped3A : memref<!tpu.dma_semaphore, #tpu.memory_space<semaphore_mem>>)
        %dma_wait3A = arith.constant 0 : i32
        %dma_wait3A_49 = tpu.memref_slice %arg4[%add3A, %mul3A_38, %dma_wait3A] : memref<32x125x80xi32, #tpu.memory_space<hbm>> -> memref<1x25x80xi32, #tpu.memory_space<hbm>>
        %dma_wait3A_50 = tpu.memref_squeeze %dma_wait3A_49 : memref<1x25x80xi32, #tpu.memory_space<hbm>> -> memref<25x80xi32, #tpu.memory_space<hbm>>
        %dma_wait3A_51 = arith.constant 0 : i32
        %dma_wait3A_52 = tpu.memref_slice %arg4[%add3A, %mul3A_38, %dma_wait3A_51] : memref<32x125x80xi32, #tpu.memory_space<hbm>> -> memref<1x25x80xi32, #tpu.memory_space<hbm>>
        %dma_wait3A_53 = tpu.memref_squeeze %dma_wait3A_52 : memref<1x25x80xi32, #tpu.memory_space<hbm>> -> memref<25x80xi32, #tpu.memory_space<hbm>>
        tpu.wait_dma2 semaphore(%run_scoped3A : memref<!tpu.dma_semaphore, #tpu.memory_space<semaphore_mem>>) src(%dma_wait3A_53 : memref<25x80xi32, #tpu.memory_space<hbm>>) dst(%arg7 : memref<25x80xi32, #tpu.memory_space<vmem>>)
        tpu.yield
      }) : () -> ()
      %scan3A_39 = arith.constant 0 : i32
      %scan3A_40 = arith.constant 25 : i32
      %scan3A_41 = arith.addi %scan3A_39, %scan3A_40 : i32
      %scan3A_42 = arith.constant 1 : i32
      scf.for %scan3A_44 = %scan3A_39 to %scan3A_41 step %scan3A_42  : i32 {
        %mul3A_45 = arith.constant 1 : i32
        %mul3A_46 = arith.muli %scan3A_44, %mul3A_45 : i32
        %add3A_47 = arith.constant 0 : i32
        %add3A_48 = arith.addi %add3A_47, %mul3A_46 : i32
        %dma_start3A = arith.constant 0 : i32
        %dma_start3A_49 = tpu.memref_slice %arg6[%add3A_48, %dma_start3A] : memref<25x80xi32, #tpu.memory_space<vmem>> -> memref<1x80xi32, #tpu.memory_space<vmem>>
        %dma_start3A_50 = tpu.memref_squeeze %dma_start3A_49 : memref<1x80xi32, #tpu.memory_space<vmem>> -> memref<80xi32, #tpu.memory_space<vmem>>
        %dma_start3A_51 = arith.constant 0 : i32
        %dma_start3A_52 = arith.constant 0 : i32
        %dma_start3A_53 = tpu.memref_slice %arg2[%dma_start3A_51, %dma_start3A_52] : memref<10240x128xf32, #tpu.memory_space<hbm>> -> memref<10240x128xf32, #tpu.memory_space<hbm>>
        tpu.enqueue_indirect_dma source(%dma_start3A_53 : memref<10240x128xf32, #tpu.memory_space<hbm>>) target(%arg8 : memref<80x128xf32, #tpu.memory_space<vmem>>) offsets(%dma_start3A_50 : memref<80xi32, #tpu.memory_space<vmem>>) semaphore(%arg10 : memref<!tpu.dma_semaphore, #tpu.memory_space<semaphore_mem>>)
        %dma_wait3A = arith.constant 0 : i32
        %dma_wait3A_54 = tpu.memref_slice %arg6[%add3A_48, %dma_wait3A] : memref<25x80xi32, #tpu.memory_space<vmem>> -> memref<1x80xi32, #tpu.memory_space<vmem>>
        %dma_wait3A_55 = tpu.memref_squeeze %dma_wait3A_54 : memref<1x80xi32, #tpu.memory_space<vmem>> -> memref<80xi32, #tpu.memory_space<vmem>>
        %dma_wait3A_56 = arith.constant 0 : i32
        %dma_wait3A_57 = arith.constant 0 : i32
        %dma_wait3A_58 = tpu.memref_slice %arg2[%dma_wait3A_56, %dma_wait3A_57] : memref<10240x128xf32, #tpu.memory_space<hbm>> -> memref<10240x128xf32, #tpu.memory_space<hbm>>
        tpu.wait_indirect_dma semaphore(%arg10 : memref<!tpu.dma_semaphore, #tpu.memory_space<semaphore_mem>>) src(%dma_wait3A_58 : memref<10240x128xf32, #tpu.memory_space<hbm>>) dst(%arg8 : memref<80x128xf32, #tpu.memory_space<vmem>>)
        "tpu.region"() ({
          %run_scoped3A = tpu.sem_alloc : memref<!tpu.dma_semaphore, #tpu.memory_space<semaphore_mem>>
          %dma_start3A_59 = arith.constant 0 : i32
          %dma_start3A_60 = tpu.memref_slice %arg7[%add3A_48, %dma_start3A_59] : memref<25x80xi32, #tpu.memory_space<vmem>> -> memref<1x80xi32, #tpu.memory_space<vmem>>
          %dma_start3A_61 = tpu.memref_squeeze %dma_start3A_60 : memref<1x80xi32, #tpu.memory_space<vmem>> -> memref<80xi32, #tpu.memory_space<vmem>>
          %dma_start3A_62 = arith.constant 0 : i32
          %dma_start3A_63 = arith.constant 0 : i32
          %dma_start3A_64 = tpu.memref_slice %arg9[%dma_start3A_62, %dma_start3A_63] : memref<10240x128xf32, #tpu.memory_space<vmem_shared>> -> memref<10240x128xf32, #tpu.memory_space<vmem_shared>>
          tpu.enqueue_indirect_dma source(%arg8 : memref<80x128xf32, #tpu.memory_space<vmem>>) target(%dma_start3A_64 : memref<10240x128xf32, #tpu.memory_space<vmem_shared>>) offsets(%dma_start3A_61 : memref<80xi32, #tpu.memory_space<vmem>>) semaphore(%run_scoped3A : memref<!tpu.dma_semaphore, #tpu.memory_space<semaphore_mem>>) {add = true}
          %dma_wait3A_65 = arith.constant 0 : i32
          %dma_wait3A_66 = tpu.memref_slice %arg7[%add3A_48, %dma_wait3A_65] : memref<25x80xi32, #tpu.memory_space<vmem>> -> memref<1x80xi32, #tpu.memory_space<vmem>>
          %dma_wait3A_67 = tpu.memref_squeeze %dma_wait3A_66 : memref<1x80xi32, #tpu.memory_space<vmem>> -> memref<80xi32, #tpu.memory_space<vmem>>
          %dma_wait3A_68 = arith.constant 0 : i32
          %dma_wait3A_69 = arith.constant 0 : i32
          %dma_wait3A_70 = tpu.memref_slice %arg9[%dma_wait3A_68, %dma_wait3A_69] : memref<10240x128xf32, #tpu.memory_space<vmem_shared>> -> memref<10240x128xf32, #tpu.memory_space<vmem_shared>>
          tpu.wait_indirect_dma semaphore(%run_scoped3A : memref<!tpu.dma_semaphore, #tpu.memory_space<semaphore_mem>>) src(%arg8 : memref<80x128xf32, #tpu.memory_space<vmem>>) dst(%dma_wait3A_70 : memref<10240x128xf32, #tpu.memory_space<vmem_shared>>)
          tpu.yield
        }) : () -> ()
      }
      %scan3A_43 = arith.constant 25 : i32
    }
    %scan3A_28 = arith.constant 5 : i32
    %barrier3A_29 = arith.constant 0 : index
    tpu.barrier barrier_id(%barrier3A_29)
    "tpu.region"() ({
      %run_scoped3A = tpu.sem_alloc : memref<!tpu.dma_semaphore, #tpu.memory_space<semaphore_mem>>
      %dma_start3A = arith.constant 0 : i32
      %dma_start3A_30 = tpu.memref_slice %arg5[%arg0, %mul3A_7, %dma_start3A] : memref<2x10240x128xf32, #tpu.memory_space<hbm>> -> memref<1x640x128xf32, #tpu.memory_space<hbm>>
      %dma_start3A_31 = tpu.memref_squeeze %dma_start3A_30 : memref<1x640x128xf32, #tpu.memory_space<hbm>> -> memref<640x128xf32, #tpu.memory_space<hbm>>
      %dma_start3A_32 = arith.constant 0 : i32
      %dma_start3A_33 = tpu.memref_slice %arg9[%mul3A_7, %dma_start3A_32] : memref<10240x128xf32, #tpu.memory_space<vmem_shared>> -> memref<640x128xf32, #tpu.memory_space<vmem_shared>>
      tpu.enqueue_dma source(%dma_start3A_33 : memref<640x128xf32, #tpu.memory_space<vmem_shared>>) target(%dma_start3A_31 : memref<640x128xf32, #tpu.memory_space<hbm>>) target_semaphore(%run_scoped3A : memref<!tpu.dma_semaphore, #tpu.memory_space<semaphore_mem>>)
      %dma_wait3A = arith.constant 0 : i32
      %dma_wait3A_34 = tpu.memref_slice %arg5[%arg0, %mul3A_7, %dma_wait3A] : memref<2x10240x128xf32, #tpu.memory_space<hbm>> -> memref<1x640x128xf32, #tpu.memory_space<hbm>>
      %dma_wait3A_35 = tpu.memref_squeeze %dma_wait3A_34 : memref<1x640x128xf32, #tpu.memory_space<hbm>> -> memref<640x128xf32, #tpu.memory_space<hbm>>
      %dma_wait3A_36 = arith.constant 0 : i32
      %dma_wait3A_37 = tpu.memref_slice %arg9[%mul3A_7, %dma_wait3A_36] : memref<10240x128xf32, #tpu.memory_space<vmem_shared>> -> memref<640x128xf32, #tpu.memory_space<vmem_shared>>
      tpu.wait_dma2 semaphore(%run_scoped3A : memref<!tpu.dma_semaphore, #tpu.memory_space<semaphore_mem>>) src(%dma_wait3A_37 : memref<640x128xf32, #tpu.memory_space<vmem_shared>>) dst(%dma_wait3A_35 : memref<640x128xf32, #tpu.memory_space<hbm>>)
      tpu.yield
    }) : () -> ()
    return
  }
}

module attributes {stable_mosaic.version = 14 : i64} {
  func.func @_pre_body(%arg0: i32, %arg1: memref<256x128xf32, #tpu.memory_space<vmem>>, %arg2: memref<128x128xf32, #tpu.memory_space<vmem>>, %arg3: memref<128x128xf32, #tpu.memory_space<vmem>>, %arg4: memref<1x128xf32, #tpu.memory_space<vmem>>, %arg5: memref<256x128xf32, #tpu.memory_space<vmem>>, %arg6: memref<256x128xf32, #tpu.memory_space<vmem>>) attributes {dimension_semantics = [#tpu.dimension_semantics<arbitrary>], iteration_bounds = array<i64: 40>, scalar_prefetch = 0 : i64, scratch_operands = 0 : i64, tpu.core_type = #tpu.core_type<tc>, window_params = [{transform_indices = @transform_0, window_bounds = array<i64: 256, 128>}, {pipeline_mode = #tpu.pipeline_mode<synchronous>, transform_indices = @transform_1, window_bounds = array<i64: 128, 128>}, {pipeline_mode = #tpu.pipeline_mode<synchronous>, transform_indices = @transform_2, window_bounds = array<i64: 128, 128>}, {pipeline_mode = #tpu.pipeline_mode<synchronous>, transform_indices = @transform_3, window_bounds = array<i64: 1, 128>}, {transform_indices = @transform_4, window_bounds = array<i64: 256, 128>}, {transform_indices = @transform_5, window_bounds = array<i64: 256, 128>}]} {
    %get3A = arith.constant 0 : index
    %get3A_0 = arith.constant 0 : index
    %get3A_1 = vector.load %arg1[%get3A, %get3A_0] : memref<256x128xf32, #tpu.memory_space<vmem>>, vector<256x128xf32>
    %get3A_2 = arith.constant 0 : index
    %get3A_3 = arith.constant 0 : index
    %get3A_4 = vector.load %arg2[%get3A_2, %get3A_3] : memref<128x128xf32, #tpu.memory_space<vmem>>, vector<128x128xf32>
    %dot_general3A = arith.constant dense<0.000000e+00> : vector<256x128xf32>
    %dot_general3A_5 = tpu.matmul %get3A_1, %get3A_4, %dot_general3A {dimension_numbers = #tpu.dot_dimension_numbers<[1], [0], [0], [1], [0, 0, 1, 1], [], []>, transpose_lhs_hint = false} : vector<256x128xf32>, vector<128x128xf32>, vector<256x128xf32> -> vector<256x128xf32>
    %swap3A = arith.constant 0 : index
    %swap3A_6 = arith.constant 0 : index
    %swap3A_7 = vector.load %arg5[%swap3A, %swap3A_6] : memref<256x128xf32, #tpu.memory_space<vmem>>, vector<256x128xf32>
    tpu.vector_store %arg5[%swap3A, %swap3A_6], %dot_general3A_5 {strides = array<i32>} : memref<256x128xf32, #tpu.memory_space<vmem>>, vector<256x128xf32>,
    %get3A_8 = arith.constant 0 : index
    %get3A_9 = arith.constant 0 : index
    %get3A_10 = vector.load %arg3[%get3A_8, %get3A_9] : memref<128x128xf32, #tpu.memory_space<vmem>>, vector<128x128xf32>
    %dot_general3A_11 = arith.constant dense<0.000000e+00> : vector<256x128xf32>
    %dot_general3A_12 = tpu.matmul %get3A_1, %get3A_10, %dot_general3A_11 {dimension_numbers = #tpu.dot_dimension_numbers<[1], [0], [0], [1], [0, 0, 1, 1], [], []>, transpose_lhs_hint = false} : vector<256x128xf32>, vector<128x128xf32>, vector<256x128xf32> -> vector<256x128xf32>
    %get3A_13 = arith.constant 0 : index
    %get3A_14 = arith.constant 0 : index
    %get3A_15 = vector.load %arg4[%get3A_13, %get3A_14] : memref<1x128xf32, #tpu.memory_space<vmem>>, vector<1x128xf32>
    %add3A = vector.broadcast %get3A_15 : vector<1x128xf32> to vector<256x128xf32>
    %add3A_16 = arith.addf %dot_general3A_12, %add3A : vector<256x128xf32>
    %swap3A_17 = arith.constant 0 : index
    %swap3A_18 = arith.constant 0 : index
    %swap3A_19 = vector.load %arg6[%swap3A_17, %swap3A_18] : memref<256x128xf32, #tpu.memory_space<vmem>>, vector<256x128xf32>
    tpu.vector_store %arg6[%swap3A_17, %swap3A_18], %add3A_16 {strides = array<i32>} : memref<256x128xf32, #tpu.memory_space<vmem>>, vector<256x128xf32>,
    return
  }
  func.func @transform_0(%arg0: i32) -> (i32, i32) {
    %c0_i32 = arith.constant 0 : i32
    %c0_i32_0 = arith.constant 0 : i32
    return %arg0, %c0_i32 : i32, i32
  }
  func.func @transform_1(%arg0: i32) -> (i32, i32) {
    %c0_i32 = arith.constant 0 : i32
    %c0_i32_0 = arith.constant 0 : i32
    %c0_i32_1 = arith.constant 0 : i32
    return %c0_i32, %c0_i32_0 : i32, i32
  }
  func.func @transform_2(%arg0: i32) -> (i32, i32) {
    %c0_i32 = arith.constant 0 : i32
    %c0_i32_0 = arith.constant 0 : i32
    %c0_i32_1 = arith.constant 0 : i32
    return %c0_i32, %c0_i32_0 : i32, i32
  }
  func.func @transform_3(%arg0: i32) -> (i32, i32) {
    %c0_i32 = arith.constant 0 : i32
    %c0_i32_0 = arith.constant 0 : i32
    %c0_i32_1 = arith.constant 0 : i32
    return %c0_i32, %c0_i32_0 : i32, i32
  }
  func.func @transform_4(%arg0: i32) -> (i32, i32) {
    %c0_i32 = arith.constant 0 : i32
    %c0_i32_0 = arith.constant 0 : i32
    return %arg0, %c0_i32 : i32, i32
  }
  func.func @transform_5(%arg0: i32) -> (i32, i32) {
    %c0_i32 = arith.constant 0 : i32
    %c0_i32_0 = arith.constant 0 : i32
    return %arg0, %c0_i32 : i32, i32
  }
}

module attributes {stable_mosaic.version = 14 : i64} {
  func.func @_mid_body(%arg0: i32, %arg1: memref<2x1x256x128xf32, #tpu.memory_space<vmem>>, %arg2: memref<2x1x256x16xf32, #tpu.memory_space<vmem>>, %arg3: memref<256x128xf32, #tpu.memory_space<vmem>>, %arg4: memref<128x128xf32, #tpu.memory_space<vmem>>, %arg5: memref<128x128xf32, #tpu.memory_space<vmem>>, %arg6: memref<1x128xf32, #tpu.memory_space<vmem>>, %arg7: memref<256x128xf32, #tpu.memory_space<vmem>>, %arg8: memref<256x128xf32, #tpu.memory_space<vmem>>, %arg9: memref<1x256x16xf32, #tpu.memory_space<vmem>>) attributes {dimension_semantics = [#tpu.dimension_semantics<arbitrary>], iteration_bounds = array<i64: 40>, scalar_prefetch = 0 : i64, scratch_operands = 0 : i64, tpu.core_type = #tpu.core_type<tc>, window_params = [{transform_indices = @transform_0, window_bounds = array<i64: 2, 1, 256, 128>}, {transform_indices = @transform_1, window_bounds = array<i64: 2, 1, 256, 16>}, {transform_indices = @transform_2, window_bounds = array<i64: 256, 128>}, {pipeline_mode = #tpu.pipeline_mode<synchronous>, transform_indices = @transform_3, window_bounds = array<i64: 128, 128>}, {pipeline_mode = #tpu.pipeline_mode<synchronous>, transform_indices = @transform_4, window_bounds = array<i64: 128, 128>}, {pipeline_mode = #tpu.pipeline_mode<synchronous>, transform_indices = @transform_5, window_bounds = array<i64: 1, 128>}, {transform_indices = @transform_6, window_bounds = array<i64: 256, 128>}, {transform_indices = @transform_7, window_bounds = array<i64: 256, 128>}, {transform_indices = @transform_8, window_bounds = array<i64: 1, 256, 16>}]} {
    %get3A = arith.constant 0 : index
    %get3A_0 = arith.constant 0 : index
    %get3A_1 = arith.constant 0 : index
    %get3A_2 = arith.constant 0 : index
    %get3A_3 = vector.load %arg2[%get3A, %get3A_0, %get3A_1, %get3A_2] : memref<2x1x256x16xf32, #tpu.memory_space<vmem>>, vector<2x1x256x16xf32>
    %slice3A = vector.extract_strided_slice %get3A_3 {offsets = [0, 0, 0, 0], sizes = [1, 1, 256, 16], strides = [1, 1, 1, 1]} : vector<2x1x256x16xf32> to vector<1x1x256x16xf32>
    %squeeze3A = vector.shape_cast %slice3A : vector<1x1x256x16xf32> to vector<256x16xf32>
    %slice3A_4 = vector.extract_strided_slice %get3A_3 {offsets = [1, 0, 0, 0], sizes = [1, 1, 256, 16], strides = [1, 1, 1, 1]} : vector<2x1x256x16xf32> to vector<1x1x256x16xf32>
    %squeeze3A_5 = vector.shape_cast %slice3A_4 : vector<1x1x256x16xf32> to vector<256x16xf32>
    %add3A = arith.addf %squeeze3A, %squeeze3A_5 : vector<256x16xf32>
    %max3A = arith.constant 1.000000e+00 : f32
    %max3A_6 = vector.broadcast %max3A : f32 to vector<256x16xf32>
    %max3A_7 = arith.maximumf %add3A, %max3A_6 : vector<256x16xf32>
    %div3A = arith.constant 1.000000e+00 : f32
    %div3A_8 = vector.broadcast %div3A : f32 to vector<256x16xf32>
    %div3A_9 = arith.divf %div3A_8, %max3A_7 : vector<256x16xf32>
    %broadcast_in_dim3A = vector.shape_cast %div3A_9 : vector<256x16xf32> to vector<1x256x16xf32>
    %swap3A = arith.constant 0 : index
    %swap3A_10 = arith.constant 0 : index
    %swap3A_11 = arith.constant 0 : index
    %swap3A_12 = vector.load %arg9[%swap3A, %swap3A_10, %swap3A_11] : memref<1x256x16xf32, #tpu.memory_space<vmem>>, vector<1x256x16xf32>
    tpu.vector_store %arg9[%swap3A, %swap3A_10, %swap3A_11], %broadcast_in_dim3A {strides = array<i32>} : memref<1x256x16xf32, #tpu.memory_space<vmem>>, vector<1x256x16xf32>,
    %get3A_13 = arith.constant 0 : index
    %get3A_14 = arith.constant 0 : index
    %get3A_15 = arith.constant 0 : index
    %get3A_16 = arith.constant 0 : index
    %get3A_17 = vector.load %arg1[%get3A_13, %get3A_14, %get3A_15, %get3A_16] : memref<2x1x256x128xf32, #tpu.memory_space<vmem>>, vector<2x1x256x128xf32>
    %slice3A_18 = vector.extract_strided_slice %get3A_17 {offsets = [0, 0, 0, 0], sizes = [1, 1, 256, 128], strides = [1, 1, 1, 1]} : vector<2x1x256x128xf32> to vector<1x1x256x128xf32>
    %squeeze3A_19 = vector.shape_cast %slice3A_18 : vector<1x1x256x128xf32> to vector<256x128xf32>
    %slice3A_20 = vector.extract_strided_slice %get3A_17 {offsets = [1, 0, 0, 0], sizes = [1, 1, 256, 128], strides = [1, 1, 1, 1]} : vector<2x1x256x128xf32> to vector<1x1x256x128xf32>
    %squeeze3A_21 = vector.shape_cast %slice3A_20 : vector<1x1x256x128xf32> to vector<256x128xf32>
    %add3A_22 = arith.addf %squeeze3A_19, %squeeze3A_21 : vector<256x128xf32>
    %slice3A_23 = vector.extract_strided_slice %div3A_9 {offsets = [0, 0], sizes = [256, 1], strides = [1, 1]} : vector<256x16xf32> to vector<256x1xf32>
    %mul3A = vector.broadcast %slice3A_23 : vector<256x1xf32> to vector<256x128xf32>
    %mul3A_24 = arith.mulf %add3A_22, %mul3A : vector<256x128xf32>
    %get3A_25 = arith.constant 0 : index
    %get3A_26 = arith.constant 0 : index
    %get3A_27 = vector.load %arg3[%get3A_25, %get3A_26] : memref<256x128xf32, #tpu.memory_space<vmem>>, vector<256x128xf32>
    %add3A_28 = arith.addf %mul3A_24, %get3A_27 : vector<256x128xf32>
    %max3A_29 = arith.constant 0.000000e+00 : f32
    %max3A_30 = vector.broadcast %max3A_29 : f32 to vector<256x128xf32>
    %max3A_31 = arith.maximumf %add3A_28, %max3A_30 : vector<256x128xf32>
    %get3A_32 = arith.constant 0 : index
    %get3A_33 = arith.constant 0 : index
    %get3A_34 = vector.load %arg4[%get3A_32, %get3A_33] : memref<128x128xf32, #tpu.memory_space<vmem>>, vector<128x128xf32>
    %dot_general3A = arith.constant dense<0.000000e+00> : vector<256x128xf32>
    %dot_general3A_35 = tpu.matmul %max3A_31, %get3A_34, %dot_general3A {dimension_numbers = #tpu.dot_dimension_numbers<[1], [0], [0], [1], [0, 0, 1, 1], [], []>, transpose_lhs_hint = false} : vector<256x128xf32>, vector<128x128xf32>, vector<256x128xf32> -> vector<256x128xf32>
    %swap3A_36 = arith.constant 0 : index
    %swap3A_37 = arith.constant 0 : index
    %swap3A_38 = vector.load %arg7[%swap3A_36, %swap3A_37] : memref<256x128xf32, #tpu.memory_space<vmem>>, vector<256x128xf32>
    tpu.vector_store %arg7[%swap3A_36, %swap3A_37], %dot_general3A_35 {strides = array<i32>} : memref<256x128xf32, #tpu.memory_space<vmem>>, vector<256x128xf32>,
    %get3A_39 = arith.constant 0 : index
    %get3A_40 = arith.constant 0 : index
    %get3A_41 = vector.load %arg5[%get3A_39, %get3A_40] : memref<128x128xf32, #tpu.memory_space<vmem>>, vector<128x128xf32>
    %dot_general3A_42 = arith.constant dense<0.000000e+00> : vector<256x128xf32>
    %dot_general3A_43 = tpu.matmul %max3A_31, %get3A_41, %dot_general3A_42 {dimension_numbers = #tpu.dot_dimension_numbers<[1], [0], [0], [1], [0, 0, 1, 1], [], []>, transpose_lhs_hint = false} : vector<256x128xf32>, vector<128x128xf32>, vector<256x128xf32> -> vector<256x128xf32>
    %get3A_44 = arith.constant 0 : index
    %get3A_45 = arith.constant 0 : index
    %get3A_46 = vector.load %arg6[%get3A_44, %get3A_45] : memref<1x128xf32, #tpu.memory_space<vmem>>, vector<1x128xf32>
    %add3A_47 = vector.broadcast %get3A_46 : vector<1x128xf32> to vector<256x128xf32>
    %add3A_48 = arith.addf %dot_general3A_43, %add3A_47 : vector<256x128xf32>
    %swap3A_49 = arith.constant 0 : index
    %swap3A_50 = arith.constant 0 : index
    %swap3A_51 = vector.load %arg8[%swap3A_49, %swap3A_50] : memref<256x128xf32, #tpu.memory_space<vmem>>, vector<256x128xf32>
    tpu.vector_store %arg8[%swap3A_49, %swap3A_50], %add3A_48 {strides = array<i32>} : memref<256x128xf32, #tpu.memory_space<vmem>>, vector<256x128xf32>,
    return
  }
  func.func @transform_0(%arg0: i32) -> (i32, i32, i32, i32) {
    %c0_i32 = arith.constant 0 : i32
    %c0_i32_0 = arith.constant 0 : i32
    %c0_i32_1 = arith.constant 0 : i32
    %c0_i32_2 = arith.constant 0 : i32
    return %c0_i32, %arg0, %c0_i32_0, %c0_i32_1 : i32, i32, i32, i32
  }
  func.func @transform_1(%arg0: i32) -> (i32, i32, i32, i32) {
    %c0_i32 = arith.constant 0 : i32
    %c0_i32_0 = arith.constant 0 : i32
    %c0_i32_1 = arith.constant 0 : i32
    %c0_i32_2 = arith.constant 0 : i32
    return %c0_i32, %arg0, %c0_i32_0, %c0_i32_1 : i32, i32, i32, i32
  }
  func.func @transform_2(%arg0: i32) -> (i32, i32) {
    %c0_i32 = arith.constant 0 : i32
    %c0_i32_0 = arith.constant 0 : i32
    return %arg0, %c0_i32 : i32, i32
  }
  func.func @transform_3(%arg0: i32) -> (i32, i32) {
    %c0_i32 = arith.constant 0 : i32
    %c0_i32_0 = arith.constant 0 : i32
    %c0_i32_1 = arith.constant 0 : i32
    return %c0_i32, %c0_i32_0 : i32, i32
  }
  func.func @transform_4(%arg0: i32) -> (i32, i32) {
    %c0_i32 = arith.constant 0 : i32
    %c0_i32_0 = arith.constant 0 : i32
    %c0_i32_1 = arith.constant 0 : i32
    return %c0_i32, %c0_i32_0 : i32, i32
  }
  func.func @transform_5(%arg0: i32) -> (i32, i32) {
    %c0_i32 = arith.constant 0 : i32
    %c0_i32_0 = arith.constant 0 : i32
    %c0_i32_1 = arith.constant 0 : i32
    return %c0_i32, %c0_i32_0 : i32, i32
  }
  func.func @transform_6(%arg0: i32) -> (i32, i32) {
    %c0_i32 = arith.constant 0 : i32
    %c0_i32_0 = arith.constant 0 : i32
    return %arg0, %c0_i32 : i32, i32
  }
  func.func @transform_7(%arg0: i32) -> (i32, i32) {
    %c0_i32 = arith.constant 0 : i32
    %c0_i32_0 = arith.constant 0 : i32
    return %arg0, %c0_i32 : i32, i32
  }
  func.func @transform_8(%arg0: i32) -> (i32, i32, i32) {
    %c0_i32 = arith.constant 0 : i32
    %c0_i32_0 = arith.constant 0 : i32
    %c0_i32_1 = arith.constant 0 : i32
    return %arg0, %c0_i32, %c0_i32_0 : i32, i32, i32
  }
}

module attributes {stable_mosaic.version = 14 : i64} {
  func.func @_post_body(%arg0: i32, %arg1: memref<2x1x256x128xf32, #tpu.memory_space<vmem>>, %arg2: memref<1x256x16xf32, #tpu.memory_space<vmem>>, %arg3: memref<256x128xf32, #tpu.memory_space<vmem>>, %arg4: memref<256x128xf32, #tpu.memory_space<vmem>>) attributes {dimension_semantics = [#tpu.dimension_semantics<arbitrary>], iteration_bounds = array<i64: 40>, scalar_prefetch = 0 : i64, scratch_operands = 0 : i64, tpu.core_type = #tpu.core_type<tc>, window_params = [{transform_indices = @transform_0, window_bounds = array<i64: 2, 1, 256, 128>}, {transform_indices = @transform_1, window_bounds = array<i64: 1, 256, 16>}, {transform_indices = @transform_2, window_bounds = array<i64: 256, 128>}, {transform_indices = @transform_3, window_bounds = array<i64: 256, 128>}]} {
    %get3A = arith.constant 0 : index
    %get3A_0 = arith.constant 0 : index
    %get3A_1 = arith.constant 0 : index
    %get3A_2 = arith.constant 0 : index
    %get3A_3 = vector.load %arg1[%get3A, %get3A_0, %get3A_1, %get3A_2] : memref<2x1x256x128xf32, #tpu.memory_space<vmem>>, vector<2x1x256x128xf32>
    %get3A_4 = arith.constant 0 : index
    %get3A_5 = arith.constant 0 : index
    %get3A_6 = arith.constant 0 : index
    %get3A_7 = vector.load %arg2[%get3A_4, %get3A_5, %get3A_6] : memref<1x256x16xf32, #tpu.memory_space<vmem>>, vector<1x256x16xf32>
    %squeeze3A = vector.shape_cast %get3A_7 : vector<1x256x16xf32> to vector<256x16xf32>
    %slice3A = vector.extract_strided_slice %get3A_3 {offsets = [0, 0, 0, 0], sizes = [1, 1, 256, 128], strides = [1, 1, 1, 1]} : vector<2x1x256x128xf32> to vector<1x1x256x128xf32>
    %squeeze3A_8 = vector.shape_cast %slice3A : vector<1x1x256x128xf32> to vector<256x128xf32>
    %slice3A_9 = vector.extract_strided_slice %get3A_3 {offsets = [1, 0, 0, 0], sizes = [1, 1, 256, 128], strides = [1, 1, 1, 1]} : vector<2x1x256x128xf32> to vector<1x1x256x128xf32>
    %squeeze3A_10 = vector.shape_cast %slice3A_9 : vector<1x1x256x128xf32> to vector<256x128xf32>
    %add3A = arith.addf %squeeze3A_8, %squeeze3A_10 : vector<256x128xf32>
    %slice3A_11 = vector.extract_strided_slice %squeeze3A {offsets = [0, 0], sizes = [256, 1], strides = [1, 1]} : vector<256x16xf32> to vector<256x1xf32>
    %mul3A = vector.broadcast %slice3A_11 : vector<256x1xf32> to vector<256x128xf32>
    %mul3A_12 = arith.mulf %add3A, %mul3A : vector<256x128xf32>
    %get3A_13 = arith.constant 0 : index
    %get3A_14 = arith.constant 0 : index
    %get3A_15 = vector.load %arg3[%get3A_13, %get3A_14] : memref<256x128xf32, #tpu.memory_space<vmem>>, vector<256x128xf32>
    %add3A_16 = arith.addf %mul3A_12, %get3A_15 : vector<256x128xf32>
    %swap3A = arith.constant 0 : index
    %swap3A_17 = arith.constant 0 : index
    %swap3A_18 = vector.load %arg4[%swap3A, %swap3A_17] : memref<256x128xf32, #tpu.memory_space<vmem>>, vector<256x128xf32>
    tpu.vector_store %arg4[%swap3A, %swap3A_17], %add3A_16 {strides = array<i32>} : memref<256x128xf32, #tpu.memory_space<vmem>>, vector<256x128xf32>,
    return
  }
  func.func @transform_0(%arg0: i32) -> (i32, i32, i32, i32) {
    %c0_i32 = arith.constant 0 : i32
    %c0_i32_0 = arith.constant 0 : i32
    %c0_i32_1 = arith.constant 0 : i32
    %c0_i32_2 = arith.constant 0 : i32
    return %c0_i32, %arg0, %c0_i32_0, %c0_i32_1 : i32, i32, i32, i32
  }
  func.func @transform_1(%arg0: i32) -> (i32, i32, i32) {
    %c0_i32 = arith.constant 0 : i32
    %c0_i32_0 = arith.constant 0 : i32
    %c0_i32_1 = arith.constant 0 : i32
    return %arg0, %c0_i32, %c0_i32_0 : i32, i32, i32
  }
  func.func @transform_2(%arg0: i32) -> (i32, i32) {
    %c0_i32 = arith.constant 0 : i32
    %c0_i32_0 = arith.constant 0 : i32
    return %arg0, %c0_i32 : i32, i32
  }
  func.func @transform_3(%arg0: i32) -> (i32, i32) {
    %c0_i32 = arith.constant 0 : i32
    %c0_i32_0 = arith.constant 0 : i32
    return %arg0, %c0_i32 : i32, i32
  }
}

</mosaic_0001>

<sc_bundles>
// kernel: kernel.10.cloned.1.call-start
scs
__scs_entry_jumppad:
0x0: {  	(pc) =	sbr.rel $0x88, $3  }
0x1: {  	(tag) =	ssettag $0x0;
	lr =	simm.s32 $0x1  }
0x2: {  	[smem:$0x3F99] =	sst lr;
	_ =	strace $0xD0000000  }
0x3: {  	_ = 	snop  }
0x4: {  	_ = 	snop  }
0x5: {  	_ = 	snop  }
0x6: {  	_ = 	snop  }
0x7: {  	_ = 	snop  }
__scs_overlays_trampoline_lowered:
0x8: {  	[smem:$0x3FA8] =	sst s0  }
0x9: {  	[smem:$0x3FA9] =	sst s1  }
0xa: {  	[smem:$0x3FAA] =	sst s2  }
0xb: {  	[smem:$0x3FAB] =	sst s3  }
0xc: {  	[smem:$0x3FAC] =	sst s4  }
0xd: {  	[smem:$0x3FAD] =	sst s5  }
0xe: {  	[smem:$0x3FAE] =	sst s6  }
0xf: {  	[smem:$0x3FAF] =	sst s7  }
0x10: {  	[smem:$0x3FB0] =	sst s8  }
0x11: {  	[smem:$0x3FB1] =	sst s9;
	s0 =	simm.s32 @!p0 $0x0  }
0x12: {  	s1 =	sld [smem:$0x3F97];
	s0 =	simm.s32 @p0 $0x1  }
0x13: {  	[smem:$0x3FB2] =	sst s0;
	s0 =	simm.s32 @!p1 $0x0  }
0x14: {  	s2 =	sld [smem:$0x3F96];
	s0 =	simm.s32 @p1 $0x1  }
0x15: {  	[smem:$0x3FB3] =	sst s0;
	s0 =	simm.s32 @!p2 $0x0  }
0x16: {  	s3 =	sld [smem:$0x3FDB];
	s0 =	simm.s32 @p2 $0x1  }
0x17: {  	s4 =	simm.s32 $0x1BF5;
	[smem:$0x3FB5] =	sst s0  }
0x18: {  	s0 =	sld [smem:$0x3F98];
	_ =	swait.ge [sflag:s4], $0x0  }
0x19: {  	s7 =	sld [smem:$0x3F99]  }
0x1a: {  	s8 =	sadd.s32 $0xFFFFE003, lr  }
0x1b: {  	s9 =	sadd.s32 $0xFFFFFEF7, lr;
	s5 =	simm.s32 $0xFFFFFFFF;
	p2 =	slt.u32 s8, $0xFFFFF086  }
0x1c: {  	p1 =	slt.u32 s9, $0xF7A;
	s5 =	simm.s32 @!p2 $0x0  }
0x1d: {  	s5 =	simm.s32 @p1 $0x1;
	p0 =	seq.s32 s7, s2  }
0x1e: {  	s7 =	smul.u32 @!p0 $0xF7A, s2;
	p2 =	seq.s32 @!p0 s5, $0x0  }
0x1f: {  	s9 =	smul.u32 $0xF7A, s1;
	s8 =	simm.s32 @!p0 $0x1BF5;
	p2 =	por !p2, p0  }
0x20: {  	[sflag:s8] =	ssyncset.s32 @!p0 $0xFFFFF086;
	s6 =	sadd.s32 @!p0 s3, s7;
	s7 =	simm.s32 @!p0 $0x108  }
0x21: {  	s3 =	sadd.s32 s3, s9;
	s6 =	sadd.s32 @!p0 $0x88, s6;
	s7 =	simm.s32 @p2 $0x1082  }
0x22: {  	[simem:s7], [sflag:s8] =	dma.local @!p0 [hbm:s6], $0xF7A  }
0x23: {  	s9 =	sor.u32 $0xD0000000, s2;
	s6 =	simm.s32 $0x108;
	_ =	swait.ge @!p0 [sflag:s8], $0x0  }
0x24: {  	s3 =	sadd.s32 $0x88, s3;
	s6 =	simm.s32 @!p1 $0x1082;
	[sflag:s4] =	ssyncset.s32 $0xFFFFF086  }
0x25: {  	[simem:s6], [sflag:s4] =	dma.local [hbm:s3], $0xF7A  }
0x26: {  	[smem:$0x3F99] =	sst s1;
	(tag) =	ssettag s2;
	_ =	strace s9  }
0x27: {  	s1 =	sld [smem:$0x3FA9]  }
0x28: {  	s2 =	sld [smem:$0x3FAA]  }
0x29: {  	s4 =	sld [smem:$0x3FAC]  }
0x2a: {  	p0 =	seq.s32 s5, $0x0;
	s5 =	sld [smem:$0x3FAD]  }
0x2b: {  	s6 =	sld [smem:$0x3FAE]  }
0x2c: {  	s7 =	sld [smem:$0x3FAF]  }
0x2d: {  	s3 =	simm.s32 $0x108;
	s8 =	sld [smem:$0x3FB0]  }
0x2e: {  	s3 =	simm.s32 @!p0 $0x1082;
	s9 =	sld [smem:$0x3FB1]  }
0x2f: {  	lr =	sadd.s32 s0, s3;
	s0 =	sld [smem:$0x3FA8]  }
0x30: {  	s3 =	sld [smem:$0x3FAB]  }
0x31: {  	[smem:$0x3FB4] =	sst s10  }
0x32: {  	s10 =	sld [smem:$0x3FB2];
	_ =	sdelay $0x3  }
0x33: {  	p0 =	seq.s32 s10, $0x1;
	s10 =	sld [smem:$0x3FB4];
	_ =	sdelay $0x3  }
0x34: {  	[smem:$0x3FB4] =	sst s10  }
0x35: {  	s10 =	sld [smem:$0x3FB3];
	_ =	sdelay $0x3  }
0x36: {  	p1 =	seq.s32 s10, $0x1;
	s10 =	sld [smem:$0x3FB4];
	_ =	sdelay $0x3  }
0x37: {  	[smem:$0x3FB4] =	sst s10  }
0x38: {  	s10 =	sld [smem:$0x3FB5]  }
0x39: {  	_ = 	snop;
	(pc) =	sbr.ind lr, $3  }
0x3a: {  	_ = 	snop  }
0x3b: {  	_ = 	snop  }
0x3c: {  	p2 =	seq.s32 s10, $0x1;
	s10 =	sld [smem:$0x3FB4]  }
0x3d: {  	_ =	shalt  }
0x3e: {  	_ =	shalt  }
0x3f: {  	_ =	shalt  }
0x40: {  	_ =	shalt  }
0x41: {  	_ =	shalt  }
0x42: {  	_ =	shalt  }
0x43: {  	_ =	shalt  }
0x44: {  	_ =	shalt  }
0x45: {  	_ =	shalt  }
0x46: {  	_ =	shalt  }
0x47: {  	_ =	shalt  }
0x48: {  	_ =	shalt  }
0x49: {  	_ =	shalt  }
0x4a: {  	_ =	shalt  }
0x4b: {  	_ =	shalt  }
0x4c: {  	_ =	shalt  }
0x4d: {  	_ =	shalt  }
0x4e: {  	_ =	shalt  }
0x4f: {  	_ =	shalt  }
0x50: {  	_ =	shalt  }
0x51: {  	_ =	shalt  }
0x52: {  	_ =	shalt  }
0x53: {  	_ =	shalt  }
0x54: {  	_ =	shalt  }
0x55: {  	_ =	shalt  }
0x56: {  	_ =	shalt  }
0x57: {  	_ =	shalt  }
0x58: {  	_ =	shalt  }
0x59: {  	_ =	shalt  }
0x5a: {  	_ =	shalt  }
0x5b: {  	_ =	shalt  }
0x5c: {  	_ =	shalt  }
0x5d: {  	_ =	shalt  }
0x5e: {  	_ =	shalt  }
0x5f: {  	_ =	shalt  }
0x60: {  	_ =	shalt  }
0x61: {  	_ =	shalt  }
0x62: {  	_ =	shalt  }
0x63: {  	_ =	shalt  }
0x64: {  	_ =	shalt  }
0x65: {  	_ =	shalt  }
0x66: {  	_ =	shalt  }
0x67: {  	_ =	shalt  }
0x68: {  	_ =	shalt  }
0x69: {  	_ =	shalt  }
0x6a: {  	_ =	shalt  }
0x6b: {  	_ =	shalt  }
0x6c: {  	_ =	shalt  }
0x6d: {  	_ =	shalt  }
0x6e: {  	_ =	shalt  }
0x6f: {  	_ =	shalt  }
0x70: {  	_ =	shalt  }
0x71: {  	_ =	shalt  }
0x72: {  	_ =	shalt  }
0x73: {  	_ =	shalt  }
0x74: {  	_ =	shalt  }
0x75: {  	_ =	shalt  }
0x76: {  	_ =	shalt  }
0x77: {  	_ =	shalt  }
0x78: {  	_ =	shalt  }
0x79: {  	_ =	shalt  }
0x7a: {  	_ =	shalt  }
0x7b: {  	_ =	shalt  }
0x7c: {  	_ =	shalt  }
0x7d: {  	_ =	shalt  }
0x7e: {  	_ =	shalt  }
0x7f: {  	_ =	shalt  }
0x80: {  	_ =	shalt  }
0x81: {  	_ =	shalt  }
0x82: {  	_ =	shalt  }
0x83: {  	_ =	shalt  }
0x84: {  	_ =	shalt  }
0x85: {  	_ =	shalt  }
0x86: {  	_ =	shalt  }
0x87: {  	_ =	shalt  }
.Lfunc_end0:
.L_simem_size_0:
called_computation.1_lowered:
.L_overlay_start_0:
0x88: {  	s2 =	sld [smem:$0x3FD9]  }
0x89: {  	s3 =	sld [smem:$0x3FFE];
	_ =	sdelay $0x1  }
0x8a: {  	s1 =	srdreg.scid  }
0x8b: {  	s0 =	sand.u32 $0x1, s1  }
0x8c: {  	s16 =	sshll.u32 s0, $0xA;
	s2 =	sadd.s32 s3, s2  }
0x8d: {  	s2 =	sadd.s32 s2, s16  }
0x8e: {  	[smem:$0x3FC0] =	sst s2  }
0x8f: {  	_ = 	snop  }
0x90: {  	(tm) =	ssettm $0x1  }
0x91: {  	s17 =	sld [smem:$0x3FFB];
	_ =	sdelay $0x3  }
0x92: {  	_ =	strace s17  }
0x93: {  	s2 =	sld [smem:$0x3FFC];
	_ =	sdelay $0x3  }
0x94: {  	_ =	strace s2  }
0x95: {  	s2 =	sld [smem:$0x3FFD];
	_ =	sdelay $0x3  }
0x96: {  	_ =	strace s2  }
0x97: {  	_ =	strace $0x8FFFFFFF  }
0x98: {  	s18 =	sld [smem:$0x3FDB];
	_ =	sdelay $0x1  }
0x99: {  	s19 =	simm.s32 $_scs_section_size  }
0x9a: {  	s4 =	simm.s32 $_size__tile_overlayer_lowered;
	s5 =	simm.s32 $_tile_overlayer_lowered  }
0x9b: {  	s22 =	simm.s32 $0x1BFF;
	s21 =	sshll.u32 s5, $0x1;
	s2 =	sadd.s32 s19, s18  }
0x9c: {  	s6 =	simm.s32 $0x0;
	s20 =	sshll.u32 s4, $0x1;
	s4 =	sadd.s32 s21, s2  }
0x9d: {  	[timem:s6], [sflag:s22] =	dma.local [hbm:s4], s20  }
0x9e: {  	_ =	swait.ge [sflag:s22], s20  }
0x9f: {  	s3 =	ssub.s32 $0x0, s20;
	[sflag:s22] =	ssyncset.done $0x0  }
0xa0: {  	[sflag:s22] =	ssyncadd.s32 s3;
	_ =	sdelay $0x1  }
0xa1: {  	s23 =	simm.s32 $0x1B8B  }
0xa2: {  	_ =	swait.ge [sflag:s23], $0x1  }
0xa3: {  	[sflag:s23] =	ssyncset.done $0x0  }
0xa4: {  	s25 =	simm.s32 $0x1B8E;
	s24 =	sld [smem:$0x3FFE];
	[sflag:s23] =	ssyncadd.s32 $0xFFFFFFFF  }
0xa5: {  	s26 =	simm.s32 $execute0_lowered;
	[smem:$0x3FD2] =	sst s25  }
0xa6: {  	s4 =	sshll.u32 s26, $0x1;
	_ =	strace $0x80000049;
	[dreg:$0x1] =	wrdreg $0xFFFFFFFF  }
0xa7: {  	s28 =	simm.s32 $_size_execute0_lowered;
	s2 =	sadd.s32 s2, s4;
	[dreg:$0x0] =	wrdreg $0x0  }
0xa8: {  	s4 =	sshll.u32 s28, $0x1;
	[dreg:$0x2] =	wrdreg s2  }
0xa9: {  	[dreg:$0x3] =	wrdreg s4  }
0xaa: {  	[dreg:$0x4] =	wrdreg $0xC0  }
0xab: {  	_ =	task [dreg:s6], $0x5FFFF  }
0xac: {  	[dreg:$0x1] =	wrdreg $0xFFFFFFFF  }
0xad: {  	[dreg:$0x0] =	wrdreg $0x60  }
0xae: {  	[dreg:$0x2] =	wrdreg s24  }
0xaf: {  	[dreg:$0x3] =	wrdreg $0x37A00  }
0xb0: {  	[dreg:$0x4] =	wrdreg $0x9  }
0xb1: {  	_ =	task.clear_ibuf [dreg:s6], $0x5FFFF;
	_ =	strace $0x90000049  }
0xb2: {  	s29 =	simm.s32 $0x9;
	_ =	strace $0x8000004B  }
0xb3: {  	_ =	swait.ge [sflag:s29], $0x1  }
0xb4: {  	[sflag:s29] =	ssyncadd.s32 $0xFFFFFFFF  }
0xb5: {  	_ =	strace $0x9000004B  }
0xb6: {  	_ =	sfence  }
0xb7: {  	s30 =	sld [smem:$0x0];
	_ =	sdelay $0x2  }
0xb8: {  	s31 =	sshll.u32 s1, $0xD;
	s1 =	sshrl.u32 s1, $0x2  }
0xb9: {  	s3 =	sand.u32 $0x4000, s31;
	s1 =	sadd.s32 s1, s30  }
0xba: {  	s0 =	sor.u32 s3, s0;
	s1 =	sshll.u32 s1, $0x11  }
0xbb: {  	s0 =	sor.u32 s1, s0  }
0xbc: {  	s0 =	sadd.s32 $0x8F2B, s0  }
0xbd: {  	[sflag:s0] =	ssyncadd.remote.s32 $0x1  }
0xbe: {  	_ =	sfence.sel $0xFFFF  }
0xbf: {  	[dreg:$0x0] =	wrdreg $0xFFFFFFFF;
	(pc) =	sbr.abs _section_cstart, $3  }
0xc0: {  	[dreg:$0x1] =	wrdreg $0xFFFFFFFF  }
0xc1: {  	_ =	task.clear_ibuf [dreg:s6], $0x2FFFF;
	_ =	strace $0x9FFFFFFF  }
0xc2: {  	(tm) =	ssettm $0x7FFFFFFF  }
0xc3: {  	_ =	shalt  }
tec
execute0_lowered:
.L_overlay_start_1:
0x0: {  	(tag) =	ssettag $0x1  }
0x1: {  	s7 =	rddreg [dreg:$0x0]  }
0x2: {  	s2 =	rddreg [dreg:$0x1]  }
0x3: {  	s0 =	rddreg [dreg:$0x2]  }
0x4: {  	s4 =	srdreg.scid;
	s1 =	stileid.u32  }
0x5: {  	s3 =	simm.s32 $0x0;
	s18 =	simm.s32 $0xFA0;
	s19 =	simm.s32 $0x2  }
0x6: {  	s20 =	simm.s32 $0x7D0;
	s21 =	simm.s32 $0x50;
	s22 =	simm.s32 $0x1  }
0x7: {  	s8 =	sand.u32 $0x1, s4;
	s9 =	smul.u32 $0x14000, s1;
	[smem:$0x7FF] =	sst s3  }
0x8: {  	s4 =	sadd.s32 $0x15200, s7;
	s5 =	sadd.s32 $0xB400, s7;
	s12 =	smul.u32 $0x50000, s1  }
0x9: {  	s6 =	smul.u32 $0x140000, s8;
	_ =	strace $0x8000004A;
	s11 =	ssub.s32 $0x2, s8  }
0xa: {  	s30 =	sshll.u32 s8, $0x4;
	s29 =	sshrl.u32 s11, $0x1;
	s31 =	sshrl.u32 s12, $0x2  }
0xb: {  	s15 =	sor.u32 s1, s30;
	s6 =	sadd.s32 s9, s6;
	s17 =	ssub.s32 s11, s29  }
0xc: {  	s14 =	sadd.s32 s31, s2;
	s15 =	smul.u32 $0x2710, s15;
	s10 =	sshrl.u32 s6, $0x3  }
0xd: {  	s6 =	sadd.s32 $0x1600, s7;
	s8 =	sadd.s32 $0x2800, s14;
	s11 =	sadd.s32 $0xA000, s14  }
0xe: {  	s12 =	sadd.s32 $0xC800, s14;
	s13 =	sadd.s32 $0xF000, s14;
	s17 =	smax.u32 s17, $0x1  }
0xf: {  	s16 =	sadd.s32 s10, s7;
	s7 =	sadd.s32 s9, s2;
	s9 =	sadd.s32 $0x5000, s14  }
0x10: {  	v0 =	vimm.f32 $0.0e+00;
	s10 =	sadd.s32 $0x7800, s14;
	s14 =	sadd.s32 $0x11800, s14;
	s16 =	sadd.s32 $0x3D200, s16  }
.LBB2_1:
0x11: {  	s23 =	simm.s32 $0x0;
	s24 =	simm.s32 $0x200  }
.LBB2_2:
0x12: {  	p0 =	sne.s32 s24, $0x9E00;
	[tilespmem:s23+$0x1010] =	vst v0  }
0x13: {  	[tilespmem:s23+$0xFA0] =	vst v0  }
0x14: {  	[tilespmem:s23+$0xFB0] =	vst v0  }
.Ltmp0:
0x15: {  	[tilespmem:s23+$0xFC0] =	vst v0;
	(pc) =	sbr.rel @p0 .LBB2_2-.Ltmp0, $4  }
0x16: {  	[tilespmem:s23+$0xFD0] =	vst v0  }
0x17: {  	[tilespmem:s23+$0xFE0] =	vst v0  }
0x18: {  	[tilespmem:s23+$0xFF0] =	vst v0  }
0x19: {  	[tilespmem:s23+$0x1000] =	vst v0;
	s23 =	sshra.s32 s24, $0x2;
	s24 =	sadd.s32 $0x200, s24  }
0x1a: {  	[tilespmem:s23+$0x1010] =	vst v0  }
0x1b: {  	[tilespmem:s23+$0xFA0] =	vst v0  }
0x1c: {  	[tilespmem:s23+$0xFB0] =	vst v0  }
0x1d: {  	[tilespmem:s23+$0xFC0] =	vst v0  }
0x1e: {  	[tilespmem:s23+$0xFD0] =	vst v0  }
0x1f: {  	[tilespmem:s23+$0xFE0] =	vst v0  }
0x20: {  	[tilespmem:s23+$0xFF0] =	vst v0  }
0x21: {  	[tilespmem:s23+$0x1000] =	vst v0  }
0x22: {  	[spmem:s7] =	stream.linear.scatter [tilespmem:s18], [sflag:$0x2], $0x2800, $0x38;
	[tilespmem:$0x177A0] =	vst v63  }
0x23: {  	_ =	swait.ge [sflag:s19], $0x2800  }
0x24: {  	[sflag:s19] =	ssyncset.done $0x0  }
0x25: {  	[sflag:s19] =	ssyncadd.s32 $0xFFFFD800  }
0x26: {  	[spmem:s8] =	stream.linear.scatter [tilespmem:s18], [sflag:$0x2], $0x2800, $0x38;
	[tilespmem:$0x177A0] =	vst v63  }
0x27: {  	_ =	swait.ge [sflag:s19], $0x2800  }
0x28: {  	[sflag:s19] =	ssyncset.done $0x0  }
0x29: {  	[sflag:s19] =	ssyncadd.s32 $0xFFFFD800  }
0x2a: {  	[spmem:s9] =	stream.linear.scatter [tilespmem:s18], [sflag:$0x2], $0x2800, $0x38;
	[tilespmem:$0x177A0] =	vst v63  }
0x2b: {  	_ =	swait.ge [sflag:s19], $0x2800  }
0x2c: {  	[sflag:s19] =	ssyncset.done $0x0  }
0x2d: {  	[sflag:s19] =	ssyncadd.s32 $0xFFFFD800  }
0x2e: {  	[spmem:s10] =	stream.linear.scatter [tilespmem:s18], [sflag:$0x2], $0x2800, $0x38;
	[tilespmem:$0x177A0] =	vst v63  }
0x2f: {  	_ =	swait.ge [sflag:s19], $0x2800  }
0x30: {  	[sflag:s19] =	ssyncset.done $0x0  }
0x31: {  	[sflag:s19] =	ssyncadd.s32 $0xFFFFD800  }
0x32: {  	[spmem:s11] =	stream.linear.scatter [tilespmem:s18], [sflag:$0x2], $0x2800, $0x38;
	[tilespmem:$0x177A0] =	vst v63  }
0x33: {  	_ =	swait.ge [sflag:s19], $0x2800  }
0x34: {  	[sflag:s19] =	ssyncset.done $0x0  }
0x35: {  	[sflag:s19] =	ssyncadd.s32 $0xFFFFD800  }
0x36: {  	[spmem:s12] =	stream.linear.scatter [tilespmem:s18], [sflag:$0x2], $0x2800, $0x38;
	[tilespmem:$0x177A0] =	vst v63  }
0x37: {  	_ =	swait.ge [sflag:s19], $0x2800  }
0x38: {  	[sflag:s19] =	ssyncset.done $0x0  }
0x39: {  	[sflag:s19] =	ssyncadd.s32 $0xFFFFD800  }
0x3a: {  	[spmem:s13] =	stream.linear.scatter [tilespmem:s18], [sflag:$0x2], $0x2800, $0x38;
	[tilespmem:$0x177A0] =	vst v63  }
0x3b: {  	_ =	swait.ge [sflag:s19], $0x2800  }
0x3c: {  	[sflag:s19] =	ssyncset.done $0x0  }
0x3d: {  	[sflag:s19] =	ssyncadd.s32 $0xFFFFD800  }
0x3e: {  	[spmem:s14] =	stream.linear.scatter [tilespmem:s18], [sflag:$0x2], $0x2800, $0x38;
	[tilespmem:$0x177A0] =	vst v63  }
0x3f: {  	_ =	swait.ge [sflag:s19], $0x2800  }
0x40: {  	[sflag:s19] =	ssyncset.done $0x0  }
0x41: {  	[sflag:s19] =	ssyncadd.s32 $0xFFFFD800  }
0x42: {  	s23 =	simm.s32 $0x0;
	s24 =	simm.s32 $0x0;
	[bflag:$0x0] =	sbarrier.arrive $0xFFFF  }
.LBB2_4:
0x43: {  	s25 =	smul.u32 $0x7D0, s24;
	_ =	sdelay $0x1  }
0x44: {  	s25 =	sadd.s32 s15, s25  }
0x45: {  	s25 =	sshrl.u32 s25, $0x3  }
0x46: {  	s26 =	sadd.s32 s5, s25  }
0x47: {  	[tilespmem:s23], [sflag:$0x2] =	stream.linear.gather [hbm4b:s26+s23], $0x7D0, $0x38;
	[tilespmem:$0x177A0] =	vst v63  }
0x48: {  	_ =	swait.ge [sflag:s19], $0x7D0  }
0x49: {  	[sflag:s19] =	ssyncset.done $0x0  }
0x4a: {  	s25 =	sadd.s32 s6, s25;
	[sflag:s19] =	ssyncadd.s32 $0xFFFFF830  }
0x4b: {  	[tilespmem:s20], [sflag:$0x2] =	stream.linear.gather [hbm4b:s25+s23], $0x7D0, $0x38;
	[tilespmem:$0x177A0] =	vst v63  }
0x4c: {  	_ =	swait.ge [sflag:s19], $0x7D0  }
0x4d: {  	[sflag:s19] =	ssyncset.done $0x0  }
0x4e: {  	s30 =	simm.s32 $0x0;
	[sflag:s19] =	ssyncadd.s32 $0xFFFFF830  }
0x4f: {  	[tilespmem:s18], [sflag:$0x1] =	stream.indirect.gather [hbm4b:s4+s21], $0x80, s30, s21, $0xb8;
	[tilespmem:$0x177A0] =	vst v63  }
0x50: {  	_ =	swait.ge [sflag:s22], $0x2800  }
0x51: {  	[sflag:s22] =	ssyncset.done $0x0  }
0x52: {  	s31 =	simm.s32 $0x7D0;
	[sflag:s22] =	ssyncadd.s32 $0xFFFFD800  }
0x53: {  	[spmem:s2] =	stream.indirect.scatter.add.f32 [tilespmem:s18], [sflag:$0x2], $0x80, s31, s21, $0xb8;
	[tilespmem:$0x177A0] =	vst v63  }
0x54: {  	_ =	swait.ge [sflag:s19], $0x2800  }
0x55: {  	s26 =	simm.s32 $0x280;
	s25 =	simm.s32 $0x140;
	[sflag:s19] =	ssyncset.done $0x0  }
.LBB2_5:
0x56: {  	s28 =	sshra.s32 s25, $0x2  }
0x57: {  	[sflag:s19] =	ssyncadd.s32 $0xFFFFD800;
	s25 =	smov.u32 s26;
	s29 =	sadd.s32 $0x140, s26  }
0x58: {  	[tilespmem:s18], [sflag:$0x1] =	stream.indirect.gather [hbm4b:s4+s21], $0x80, s28, s21, $0xb8;
	[tilespmem:$0x177A0] =	vst v63  }
0x59: {  	p0 =	sne.s32 s26, $0x1E00;
	_ =	swait.ge [sflag:s22], $0x2800  }
.Ltmp1:
0x5a: {  	[sflag:s22] =	ssyncset.done $0x0;
	(pc) =	sbr.rel @p0 .LBB2_5-.Ltmp1, $4  }
0x5b: {  	s26 =	sadd.s32 $0x7D0, s28;
	[sflag:s22] =	ssyncadd.s32 $0xFFFFD800  }
0x5c: {  	[spmem:s2] =	stream.indirect.scatter.add.f32 [tilespmem:s18], [sflag:$0x2], $0x80, s26, s21, $0xb8;
	[tilespmem:$0x177A0] =	vst v63  }
0x5d: {  	_ =	swait.ge [sflag:s19], $0x2800  }
0x5e: {  	s26 =	smov.u32 s29;
	[sflag:s19] =	ssyncset.done $0x0  }
0x5f: {  	s25 =	sshra.s32 s25, $0x2;
	[sflag:s19] =	ssyncadd.s32 $0xFFFFD800  }
0x60: {  	[tilespmem:s18], [sflag:$0x1] =	stream.indirect.gather [hbm4b:s4+s21], $0x80, s25, s21, $0xb8;
	[tilespmem:$0x177A0] =	vst v63  }
0x61: {  	s24 =	sadd.s32 $0x1, s24;
	_ =	swait.ge [sflag:s22], $0x2800  }
0x62: {  	p0 =	sne.s32 s24, $0x5;
	[sflag:s22] =	ssyncset.done $0x0  }
.Ltmp2:
0x63: {  	s25 =	sadd.s32 $0x7D0, s25;
	[sflag:s22] =	ssyncadd.s32 $0xFFFFD800;
	(pc) =	sbr.rel @p0 .LBB2_4-.Ltmp2, $4  }
0x64: {  	[spmem:s2] =	stream.indirect.scatter.add.f32 [tilespmem:s18], [sflag:$0x2], $0x80, s25, s21, $0xb8;
	[tilespmem:$0x177A0] =	vst v63  }
0x65: {  	_ =	swait.ge [sflag:s19], $0x2800  }
0x66: {  	[sflag:s19] =	ssyncset.done $0x0  }
0x67: {  	[sflag:s19] =	ssyncadd.s32 $0xFFFFD800  }
0x68: {  	s3 =	sadd.s32 $0x1, s3  }
0x69: {  	s23 =	sshll.u32 s1, $0x6;
	[bflag:$0x0] =	sbarrier.arrive $0xFFFF;
	p0 =	sne.s32 s3, s17  }
.Ltmp3:
0x6a: {  	s24 =	sshrl.u32 s7, $0x3;
	s23 =	sor.u32 $0x1C02, s23;
	(pc) =	sbr.rel @p0 .LBB2_1-.Ltmp3, $4  }
0x6b: {  	[hbm:s16], [sflag:s23] =	dma.local [spmem:s24], $0x2800  }
0x6c: {  	_ =	swait.ge [sflag:s19], $0x2800  }
0x6d: {  	[sflag:s19] =	ssyncset.done $0x0  }
0x6e: {  	[sflag:s19] =	ssyncadd.s32 $0xFFFFD800  }
0x6f: {  	_ =	sfence.sel $0x180000  }
0x70: {  	[bflag:$0x0] =	sbarrier.arrive $0xFFFF  }
0x71: {  	p0 =	sne.s32 s1, $0x0;
	_ =	strace $0x9000004A  }
0x72: {  	s0 =	sadd.s32 @!p0 $0x100000, s0;
	[bflag:$0x2] =	sbarrier.arrive $0xFFFF  }
0x73: {  	[sflag:s0] =	ssyncadd.tile.s32 @!p0 $0x1;
	_ =	shalt  }
.Lfunc_end2:
_tile_overlayer_lowered:
.L_overlay_start_2:
0x74: {  	(tag) =	ssettag $0x2  }
0x75: {  	s0 =	rddreg [dreg:$0x0];
	s2 =	stileid.u32  }
0x76: {  	s1 =	rddreg [dreg:$0x1];
	p0 =	sne.s32 s2, $0x0  }
0x77: {  	s3 =	rddreg [dreg:$0x2];
	[bflag:$0x3] =	sbarrier.arrive $0xFFFF;
	s2 =	simm.s32 @!p0 $0x1C02  }
0x78: {  	[timem:s3], [sflag:s2] =	dma.local @!p0 [hbm:s0], s1  }
0x79: {  	s0 =	simm.s32 @!p0 $0x2  }
0x7a: {  	_ =	swait.ge @!p0 [sflag:s0], s1  }
0x7b: {  	s1 =	ssub.s32 @!p0 $0x0, s1;
	[sflag:s0] =	ssyncset.done @!p0 $0x0  }
0x7c: {  	[sflag:s0] =	ssyncadd.s32 @!p0 s1  }
0x7d: {  	[bflag:$0x3] =	sbarrier.arrive $0xFFFF  }
0x7e: {  	_ =	shalt  }

// kernel: kernel.7.cloned.1.call-start
scs
__scs_entry_jumppad:
0x0: {  	(pc) =	sbr.rel $0x88, $3  }
0x1: {  	(tag) =	ssettag $0x0;
	lr =	simm.s32 $0x1  }
0x2: {  	[smem:$0x3F99] =	sst lr;
	_ =	strace $0xD0000000  }
0x3: {  	_ = 	snop  }
0x4: {  	_ = 	snop  }
0x5: {  	_ = 	snop  }
0x6: {  	_ = 	snop  }
0x7: {  	_ = 	snop  }
__scs_overlays_trampoline_lowered:
0x8: {  	[smem:$0x3FA8] =	sst s0  }
0x9: {  	[smem:$0x3FA9] =	sst s1  }
0xa: {  	[smem:$0x3FAA] =	sst s2  }
0xb: {  	[smem:$0x3FAB] =	sst s3  }
0xc: {  	[smem:$0x3FAC] =	sst s4  }
0xd: {  	[smem:$0x3FAD] =	sst s5  }
0xe: {  	[smem:$0x3FAE] =	sst s6  }
0xf: {  	[smem:$0x3FAF] =	sst s7  }
0x10: {  	[smem:$0x3FB0] =	sst s8  }
0x11: {  	[smem:$0x3FB1] =	sst s9;
	s0 =	simm.s32 @!p0 $0x0  }
0x12: {  	s1 =	sld [smem:$0x3F97];
	s0 =	simm.s32 @p0 $0x1  }
0x13: {  	[smem:$0x3FB2] =	sst s0;
	s0 =	simm.s32 @!p1 $0x0  }
0x14: {  	s2 =	sld [smem:$0x3F96];
	s0 =	simm.s32 @p1 $0x1  }
0x15: {  	[smem:$0x3FB3] =	sst s0;
	s0 =	simm.s32 @!p2 $0x0  }
0x16: {  	s3 =	sld [smem:$0x3FDB];
	s0 =	simm.s32 @p2 $0x1  }
0x17: {  	s4 =	simm.s32 $0x1BF5;
	[smem:$0x3FB5] =	sst s0  }
0x18: {  	s0 =	sld [smem:$0x3F98];
	_ =	swait.ge [sflag:s4], $0x0  }
0x19: {  	s7 =	sld [smem:$0x3F99]  }
0x1a: {  	s8 =	sadd.s32 $0xFFFFE003, lr  }
0x1b: {  	s9 =	sadd.s32 $0xFFFFFEF7, lr;
	s5 =	simm.s32 $0xFFFFFFFF;
	p2 =	slt.u32 s8, $0xFFFFF086  }
0x1c: {  	p1 =	slt.u32 s9, $0xF7A;
	s5 =	simm.s32 @!p2 $0x0  }
0x1d: {  	s5 =	simm.s32 @p1 $0x1;
	p0 =	seq.s32 s7, s2  }
0x1e: {  	s7 =	smul.u32 @!p0 $0xF7A, s2;
	p2 =	seq.s32 @!p0 s5, $0x0  }
0x1f: {  	s9 =	smul.u32 $0xF7A, s1;
	s8 =	simm.s32 @!p0 $0x1BF5;
	p2 =	por !p2, p0  }
0x20: {  	[sflag:s8] =	ssyncset.s32 @!p0 $0xFFFFF086;
	s6 =	sadd.s32 @!p0 s3, s7;
	s7 =	simm.s32 @!p0 $0x108  }
0x21: {  	s3 =	sadd.s32 s3, s9;
	s6 =	sadd.s32 @!p0 $0x88, s6;
	s7 =	simm.s32 @p2 $0x1082  }
0x22: {  	[simem:s7], [sflag:s8] =	dma.local @!p0 [hbm:s6], $0xF7A  }
0x23: {  	s9 =	sor.u32 $0xD0000000, s2;
	s6 =	simm.s32 $0x108;
	_ =	swait.ge @!p0 [sflag:s8], $0x0  }
0x24: {  	s3 =	sadd.s32 $0x88, s3;
	s6 =	simm.s32 @!p1 $0x1082;
	[sflag:s4] =	ssyncset.s32 $0xFFFFF086  }
0x25: {  	[simem:s6], [sflag:s4] =	dma.local [hbm:s3], $0xF7A  }
0x26: {  	[smem:$0x3F99] =	sst s1;
	(tag) =	ssettag s2;
	_ =	strace s9  }
0x27: {  	s1 =	sld [smem:$0x3FA9]  }
0x28: {  	s2 =	sld [smem:$0x3FAA]  }
0x29: {  	s4 =	sld [smem:$0x3FAC]  }
0x2a: {  	p0 =	seq.s32 s5, $0x0;
	s5 =	sld [smem:$0x3FAD]  }
0x2b: {  	s6 =	sld [smem:$0x3FAE]  }
0x2c: {  	s7 =	sld [smem:$0x3FAF]  }
0x2d: {  	s3 =	simm.s32 $0x108;
	s8 =	sld [smem:$0x3FB0]  }
0x2e: {  	s3 =	simm.s32 @!p0 $0x1082;
	s9 =	sld [smem:$0x3FB1]  }
0x2f: {  	lr =	sadd.s32 s0, s3;
	s0 =	sld [smem:$0x3FA8]  }
0x30: {  	s3 =	sld [smem:$0x3FAB]  }
0x31: {  	[smem:$0x3FB4] =	sst s10  }
0x32: {  	s10 =	sld [smem:$0x3FB2];
	_ =	sdelay $0x3  }
0x33: {  	p0 =	seq.s32 s10, $0x1;
	s10 =	sld [smem:$0x3FB4];
	_ =	sdelay $0x3  }
0x34: {  	[smem:$0x3FB4] =	sst s10  }
0x35: {  	s10 =	sld [smem:$0x3FB3];
	_ =	sdelay $0x3  }
0x36: {  	p1 =	seq.s32 s10, $0x1;
	s10 =	sld [smem:$0x3FB4];
	_ =	sdelay $0x3  }
0x37: {  	[smem:$0x3FB4] =	sst s10  }
0x38: {  	s10 =	sld [smem:$0x3FB5]  }
0x39: {  	_ = 	snop;
	(pc) =	sbr.ind lr, $3  }
0x3a: {  	_ = 	snop  }
0x3b: {  	_ = 	snop  }
0x3c: {  	p2 =	seq.s32 s10, $0x1;
	s10 =	sld [smem:$0x3FB4]  }
0x3d: {  	_ =	shalt  }
0x3e: {  	_ =	shalt  }
0x3f: {  	_ =	shalt  }
0x40: {  	_ =	shalt  }
0x41: {  	_ =	shalt  }
0x42: {  	_ =	shalt  }
0x43: {  	_ =	shalt  }
0x44: {  	_ =	shalt  }
0x45: {  	_ =	shalt  }
0x46: {  	_ =	shalt  }
0x47: {  	_ =	shalt  }
0x48: {  	_ =	shalt  }
0x49: {  	_ =	shalt  }
0x4a: {  	_ =	shalt  }
0x4b: {  	_ =	shalt  }
0x4c: {  	_ =	shalt  }
0x4d: {  	_ =	shalt  }
0x4e: {  	_ =	shalt  }
0x4f: {  	_ =	shalt  }
0x50: {  	_ =	shalt  }
0x51: {  	_ =	shalt  }
0x52: {  	_ =	shalt  }
0x53: {  	_ =	shalt  }
0x54: {  	_ =	shalt  }
0x55: {  	_ =	shalt  }
0x56: {  	_ =	shalt  }
0x57: {  	_ =	shalt  }
0x58: {  	_ =	shalt  }
0x59: {  	_ =	shalt  }
0x5a: {  	_ =	shalt  }
0x5b: {  	_ =	shalt  }
0x5c: {  	_ =	shalt  }
0x5d: {  	_ =	shalt  }
0x5e: {  	_ =	shalt  }
0x5f: {  	_ =	shalt  }
0x60: {  	_ =	shalt  }
0x61: {  	_ =	shalt  }
0x62: {  	_ =	shalt  }
0x63: {  	_ =	shalt  }
0x64: {  	_ =	shalt  }
0x65: {  	_ =	shalt  }
0x66: {  	_ =	shalt  }
0x67: {  	_ =	shalt  }
0x68: {  	_ =	shalt  }
0x69: {  	_ =	shalt  }
0x6a: {  	_ =	shalt  }
0x6b: {  	_ =	shalt  }
0x6c: {  	_ =	shalt  }
0x6d: {  	_ =	shalt  }
0x6e: {  	_ =	shalt  }
0x6f: {  	_ =	shalt  }
0x70: {  	_ =	shalt  }
0x71: {  	_ =	shalt  }
0x72: {  	_ =	shalt  }
0x73: {  	_ =	shalt  }
0x74: {  	_ =	shalt  }
0x75: {  	_ =	shalt  }
0x76: {  	_ =	shalt  }
0x77: {  	_ =	shalt  }
0x78: {  	_ =	shalt  }
0x79: {  	_ =	shalt  }
0x7a: {  	_ =	shalt  }
0x7b: {  	_ =	shalt  }
0x7c: {  	_ =	shalt  }
0x7d: {  	_ =	shalt  }
0x7e: {  	_ =	shalt  }
0x7f: {  	_ =	shalt  }
0x80: {  	_ =	shalt  }
0x81: {  	_ =	shalt  }
0x82: {  	_ =	shalt  }
0x83: {  	_ =	shalt  }
0x84: {  	_ =	shalt  }
0x85: {  	_ =	shalt  }
0x86: {  	_ =	shalt  }
0x87: {  	_ =	shalt  }
.Lfunc_end0:
.L_simem_size_0:
called_computation_lowered:
.L_overlay_start_0:
0x88: {  	s2 =	sld [smem:$0x3FD9]  }
0x89: {  	s3 =	sld [smem:$0x3FFE];
	_ =	sdelay $0x1  }
0x8a: {  	s1 =	srdreg.scid  }
0x8b: {  	s0 =	sand.u32 $0x1, s1  }
0x8c: {  	s17 =	sshll.u32 s0, $0xA;
	s2 =	sadd.s32 s3, s2  }
0x8d: {  	s2 =	sadd.s32 s2, s17  }
0x8e: {  	[smem:$0x3FC0] =	sst s2  }
0x8f: {  	_ = 	snop  }
0x90: {  	s2 =	sld [smem:$0x3FD0];
	(tm) =	ssettm $0x1  }
0x91: {  	s18 =	sld [smem:$0x3FFB];
	_ =	sdelay $0x3  }
0x92: {  	_ =	strace s18  }
0x93: {  	s3 =	sld [smem:$0x3FFC];
	_ =	sdelay $0x3  }
0x94: {  	_ =	strace s3  }
0x95: {  	s3 =	sld [smem:$0x3FFD];
	_ =	sdelay $0x3  }
0x96: {  	_ =	strace s3  }
0x97: {  	_ =	strace $0x8FFFFFFF  }
0x98: {  	s19 =	sld [smem:$0x3FDB];
	_ =	sdelay $0x1  }
0x99: {  	s4 =	simm.s32 $_scs_section_size  }
0x9a: {  	s5 =	simm.s32 $_size__tile_overlayer_lowered;
	s6 =	simm.s32 $_tile_overlayer_lowered  }
0x9b: {  	s22 =	simm.s32 $0x1BFF;
	s21 =	sshll.u32 s6, $0x1;
	s3 =	sadd.s32 s4, s19  }
0x9c: {  	s7 =	simm.s32 $0x0;
	s20 =	sshll.u32 s5, $0x1;
	s5 =	sadd.s32 s21, s3  }
0x9d: {  	[timem:s7], [sflag:s22] =	dma.local [hbm:s5], s20  }
0x9e: {  	_ =	swait.ge [sflag:s22], s20  }
0x9f: {  	s4 =	ssub.s32 $0x0, s20;
	[sflag:s22] =	ssyncset.done $0x0  }
0xa0: {  	[sflag:s22] =	ssyncadd.s32 s4;
	_ =	sdelay $0x1  }
0xa1: {  	s23 =	simm.s32 $0x1B8B  }
0xa2: {  	_ =	swait.ge [sflag:s23], $0x1  }
0xa3: {  	[sflag:s23] =	ssyncset.done $0x0  }
0xa4: {  	s25 =	simm.s32 $0x1B8E;
	s24 =	sld [smem:$0x3FFE];
	[sflag:s23] =	ssyncadd.s32 $0xFFFFFFFF  }
0xa5: {  	s26 =	simm.s32 $execute0_lowered;
	[smem:$0x3FD2] =	sst s25  }
0xa6: {  	s5 =	sshll.u32 s26, $0x1;
	_ =	strace $0x80000046;
	[dreg:$0x1] =	wrdreg $0xFFFFFFFF  }
0xa7: {  	s28 =	simm.s32 $_size_execute0_lowered;
	s3 =	sadd.s32 s3, s5;
	[dreg:$0x0] =	wrdreg $0x0  }
0xa8: {  	s5 =	sshll.u32 s28, $0x1;
	[dreg:$0x2] =	wrdreg s3  }
0xa9: {  	[dreg:$0x3] =	wrdreg s5  }
0xaa: {  	[dreg:$0x4] =	wrdreg $0xC0  }
0xab: {  	_ =	task [dreg:s7], $0x5FFFF  }
0xac: {  	[dreg:$0x1] =	wrdreg $0xFFFFFFFF  }
0xad: {  	[dreg:$0x0] =	wrdreg $0x60  }
0xae: {  	[dreg:$0x2] =	wrdreg s24  }
0xaf: {  	[dreg:$0x3] =	wrdreg s2  }
0xb0: {  	[dreg:$0x4] =	wrdreg $0x3CA00  }
0xb1: {  	[dreg:$0x5] =	wrdreg $0x17CA00  }
0xb2: {  	[dreg:$0x6] =	wrdreg $0x9  }
0xb3: {  	_ =	task.clear_ibuf [dreg:s7], $0x7FFFF;
	_ =	strace $0x90000046  }
0xb4: {  	s29 =	simm.s32 $0x9;
	_ =	strace $0x80000048  }
0xb5: {  	_ =	swait.ge [sflag:s29], $0x1  }
0xb6: {  	[sflag:s29] =	ssyncadd.s32 $0xFFFFFFFF  }
0xb7: {  	_ =	strace $0x90000048  }
0xb8: {  	_ =	sfence  }
0xb9: {  	s30 =	sld [smem:$0x0];
	_ =	sdelay $0x2  }
0xba: {  	s31 =	sshll.u32 s1, $0xD;
	s1 =	sshrl.u32 s1, $0x2  }
0xbb: {  	s3 =	sand.u32 $0x4000, s31;
	s1 =	sadd.s32 s1, s30  }
0xbc: {  	s0 =	sor.u32 s3, s0;
	s1 =	sshll.u32 s1, $0x11  }
0xbd: {  	s0 =	sor.u32 s1, s0  }
0xbe: {  	s0 =	sadd.s32 $0x8F2B, s0  }
0xbf: {  	[sflag:s0] =	ssyncadd.remote.s32 $0x1  }
0xc0: {  	_ =	sfence.sel $0xFFFF  }
0xc1: {  	[dreg:$0x0] =	wrdreg $0xFFFFFFFF;
	(pc) =	sbr.abs _section_cstart, $3  }
0xc2: {  	[dreg:$0x1] =	wrdreg $0xFFFFFFFF  }
0xc3: {  	_ =	task.clear_ibuf [dreg:s7], $0x2FFFF;
	_ =	strace $0x9FFFFFFF  }
0xc4: {  	(tm) =	ssettm $0x7FFFFFFF  }
0xc5: {  	_ =	shalt  }
tec
execute0_lowered:
.L_overlay_start_1:
0x0: {  	(tag) =	ssettag $0x1  }
0x1: {  	s0 =	rddreg [dreg:$0x0]  }
0x2: {  	s1 =	rddreg [dreg:$0x1]  }
0x3: {  	s2 =	rddreg [dreg:$0x2]  }
0x4: {  	s3 =	rddreg [dreg:$0x3]  }
0x5: {  	s5 =	srdreg.scid;
	s15 =	stileid.u32;
	s4 =	simm.s32 $0x0  }
0x6: {  	s29 =	simm.s32 $0xFA0;
	s30 =	simm.s32 $0x2;
	s8 =	smul.u32 $0x14000, s15  }
0x7: {  	s31 =	simm.s32 $0x37A0;
	s9 =	sand.u32 $0x1, s5;
	s12 =	smul.u32 $0x280, s15  }
0x8: {  	[smem:$0x7FF] =	sst s4;
	s5 =	sadd.s32 $0x15200, s0;
	s17 =	smul.u32 $0x2800, s15  }
0x9: {  	s6 =	sadd.s32 $0xB400, s0;
	s7 =	smul.u32 $0x140000, s9;
	_ =	strace $0x80000047  }
0xa: {  	s11 =	ssub.s32 $0x2, s9;
	s22 =	sshll.u32 s9, $0x4;
	s9 =	smul.u32 $0x28000, s9  }
0xb: {  	s21 =	sshrl.u32 s11, $0x1;
	s13 =	sor.u32 $0x50, s12;
	s19 =	sadd.s32 $0xA0, s12  }
0xc: {  	s20 =	sadd.s32 $0xF0, s12;
	s7 =	sadd.s32 s8, s7;
	s8 =	sadd.s32 s8, s2  }
0xd: {  	s14 =	sshll.u32 s13, $0x7;
	s23 =	sshll.u32 s19, $0x7;
	s24 =	sshll.u32 s20, $0x7  }
0xe: {  	s9 =	sadd.s32 s17, s9;
	s18 =	sshll.u32 s13, $0x4;
	s17 =	sadd.s32 s17, s3  }
0xf: {  	s10 =	sshrl.u32 s7, $0x3;
	s7 =	sadd.s32 $0x1600, s0;
	s14 =	sadd.s32 s14, s2  }
0x10: {  	s9 =	sshrl.u32 s9, $0x3;
	s18 =	sadd.s32 s18, s3;
	s0 =	sadd.s32 s10, s0  }
0x11: {  	s10 =	ssub.s32 s11, s21;
	s11 =	sor.u32 s15, s22;
	[dreg:$0x5] =	wrdreg s14  }
0x12: {  	s14 =	sadd.s32 s23, s2;
	s21 =	sadd.s32 $0x140, s12;
	s22 =	sadd.s32 $0x190, s12  }
0x13: {  	s1 =	sadd.s32 s1, s9;
	s15 =	sadd.s32 $0x230, s12;
	[dreg:$0x6] =	wrdreg s14  }
0x14: {  	s14 =	sadd.s32 s24, s2;
	s25 =	sshll.u32 s21, $0x7;
	s26 =	sshll.u32 s22, $0x7  }
0x15: {  	[dreg:$0x9] =	wrdreg s1;
	s1 =	sadd.s32 $0x1E0, s12;
	s23 =	sshll.u32 s15, $0x7  }
0x16: {  	s24 =	sshll.u32 s19, $0x4;
	s21 =	sshll.u32 s21, $0x4;
	s9 =	sshll.u32 s15, $0x4  }
0x17: {  	s28 =	smax.u32 s10, $0x1;
	[dreg:$0x7] =	wrdreg s14;
	s14 =	sadd.s32 s25, s2  }
0x18: {  	s16 =	sshll.u32 s1, $0x7;
	s25 =	sshll.u32 s20, $0x4;
	s19 =	sadd.s32 s24, s3  }
0x19: {  	s21 =	sadd.s32 s21, s3;
	s1 =	sshll.u32 s1, $0x4;
	s24 =	sadd.s32 s9, s3  }
0x1a: {  	s9 =	simm.s32 $0x1;
	[dreg:$0x8] =	wrdreg s14;
	s14 =	sadd.s32 s26, s2  }
0x1b: {  	s12 =	sadd.s32 s16, s2;
	s16 =	sadd.s32 s23, s2;
	s20 =	sadd.s32 s25, s3  }
0x1c: {  	s26 =	sshll.u32 s22, $0x4;
	s23 =	sadd.s32 s1, s3;
	[dreg:$0xa] =	wrdreg s14  }
0x1d: {  	s25 =	smul.u32 $0x2710, s11;
	s1 =	simm.s32 $0x50;
	[dreg:$0xb] =	wrdreg s12  }
0x1e: {  	v0 =	vimm.f32 $0.0e+00;
	v1 =	vimm.f32 $1.000000000e+00;
	s22 =	sadd.s32 s26, s3;
	s26 =	sadd.s32 $0x3D200, s0;
	s0 =	simm.s32 $0x7D0  }
.LBB2_1:
0x1f: {  	s10 =	simm.s32 $0x0;
	s11 =	simm.s32 $0x200  }
.LBB2_2:
0x20: {  	p0 =	sne.s32 s11, $0x9E00;
	[tilespmem:s10+$0x1010] =	vst v0  }
0x21: {  	[tilespmem:s10+$0xFA0] =	vst v0  }
0x22: {  	[tilespmem:s10+$0xFB0] =	vst v0  }
.Ltmp0:
0x23: {  	[tilespmem:s10+$0xFC0] =	vst v0;
	(pc) =	sbr.rel @p0 .LBB2_2-.Ltmp0, $4  }
0x24: {  	[tilespmem:s10+$0xFD0] =	vst v0  }
0x25: {  	[tilespmem:s10+$0xFE0] =	vst v0  }
0x26: {  	[tilespmem:s10+$0xFF0] =	vst v0  }
0x27: {  	[tilespmem:s10+$0x1000] =	vst v0;
	s10 =	sshra.s32 s11, $0x2;
	s11 =	sadd.s32 $0x200, s11  }
0x28: {  	[tilespmem:s10+$0x1010] =	vst v0  }
0x29: {  	[tilespmem:s10+$0xFA0] =	vst v0  }
0x2a: {  	[tilespmem:s10+$0xFB0] =	vst v0  }
0x2b: {  	[tilespmem:s10+$0xFC0] =	vst v0  }
0x2c: {  	[tilespmem:s10+$0xFD0] =	vst v0  }
0x2d: {  	[tilespmem:s10+$0xFE0] =	vst v0  }
0x2e: {  	[tilespmem:s10+$0xFF0] =	vst v0  }
0x2f: {  	[tilespmem:s10+$0x1000] =	vst v0  }
0x30: {  	[spmem:s8] =	stream.linear.scatter [tilespmem:s29], [sflag:$0x2], $0x2800, $0x38;
	[tilespmem:$0x1A4A0] =	vst v63  }
0x31: {  	_ =	swait.ge [sflag:s30], $0x2800  }
0x32: {  	[sflag:s30] =	ssyncset.done $0x0  }
0x33: {  	s15 =	rddreg [dreg:$0x5];
	[sflag:s30] =	ssyncadd.s32 $0xFFFFD800  }
0x34: {  	[spmem:s15] =	stream.linear.scatter [tilespmem:s29], [sflag:$0x2], $0x2800, $0x38;
	[tilespmem:$0x1A4A0] =	vst v63  }
0x35: {  	_ =	swait.ge [sflag:s30], $0x2800  }
0x36: {  	[sflag:s30] =	ssyncset.done $0x0  }
0x37: {  	s11 =	rddreg [dreg:$0x6];
	[sflag:s30] =	ssyncadd.s32 $0xFFFFD800  }
0x38: {  	[spmem:s11] =	stream.linear.scatter [tilespmem:s29], [sflag:$0x2], $0x2800, $0x38;
	[tilespmem:$0x1A4A0] =	vst v63  }
0x39: {  	_ =	swait.ge [sflag:s30], $0x2800  }
0x3a: {  	[sflag:s30] =	ssyncset.done $0x0  }
0x3b: {  	s12 =	rddreg [dreg:$0x7];
	[sflag:s30] =	ssyncadd.s32 $0xFFFFD800  }
0x3c: {  	[spmem:s12] =	stream.linear.scatter [tilespmem:s29], [sflag:$0x2], $0x2800, $0x38;
	[tilespmem:$0x1A4A0] =	vst v63  }
0x3d: {  	_ =	swait.ge [sflag:s30], $0x2800  }
0x3e: {  	[sflag:s30] =	ssyncset.done $0x0  }
0x3f: {  	s13 =	rddreg [dreg:$0x8];
	[sflag:s30] =	ssyncadd.s32 $0xFFFFD800  }
0x40: {  	[spmem:s13] =	stream.linear.scatter [tilespmem:s29], [sflag:$0x2], $0x2800, $0x38;
	[tilespmem:$0x1A4A0] =	vst v63  }
0x41: {  	_ =	swait.ge [sflag:s30], $0x2800  }
0x42: {  	[sflag:s30] =	ssyncset.done $0x0  }
0x43: {  	s14 =	rddreg [dreg:$0xa];
	[sflag:s30] =	ssyncadd.s32 $0xFFFFD800  }
0x44: {  	[spmem:s14] =	stream.linear.scatter [tilespmem:s29], [sflag:$0x2], $0x2800, $0x38;
	[tilespmem:$0x1A4A0] =	vst v63  }
0x45: {  	_ =	swait.ge [sflag:s30], $0x2800  }
0x46: {  	[sflag:s30] =	ssyncset.done $0x0  }
0x47: {  	s15 =	rddreg [dreg:$0xb];
	[sflag:s30] =	ssyncadd.s32 $0xFFFFD800  }
0x48: {  	[spmem:s15] =	stream.linear.scatter [tilespmem:s29], [sflag:$0x2], $0x2800, $0x38;
	[tilespmem:$0x1A4A0] =	vst v63  }
0x49: {  	_ =	swait.ge [sflag:s30], $0x2800  }
0x4a: {  	[sflag:s30] =	ssyncset.done $0x0  }
0x4b: {  	[sflag:s30] =	ssyncadd.s32 $0xFFFFD800  }
0x4c: {  	[spmem:s16] =	stream.linear.scatter [tilespmem:s29], [sflag:$0x2], $0x2800, $0x38;
	[tilespmem:$0x1A4A0] =	vst v63  }
0x4d: {  	_ =	swait.ge [sflag:s30], $0x2800  }
0x4e: {  	[sflag:s30] =	ssyncset.done $0x0  }
0x4f: {  	s10 =	simm.s32 $0x40;
	s11 =	simm.s32 $0x0;
	[sflag:s30] =	ssyncadd.s32 $0xFFFFD800  }
.LBB2_4:
0x50: {  	p0 =	sne.s32 s10, $0x13C0;
	[tilespmem:s11+$0x37A0] =	vst v0;
	s11 =	smov.u32 s10;
	s10 =	sadd.s32 $0x40, s10  }
.Ltmp1:
0x51: {  	(pc) =	sbr.rel @p0 .LBB2_4-.Ltmp1, $2  }
0x52: {  	_ =	sdelay $0x2  }
0x53: {  	s11 =	sshra.s32 s11, $0x2  }
0x54: {  	[tilespmem:s11+$0x37A0] =	vst v0  }
0x55: {  	[spmem:s17] =	stream.linear.scatter [tilespmem:s31], [sflag:$0x2], $0x500, $0x38;
	[tilespmem:$0x1A4A0] =	vst v63  }
0x56: {  	_ =	swait.ge [sflag:s30], $0x500  }
0x57: {  	[sflag:s30] =	ssyncset.done $0x0  }
0x58: {  	[sflag:s30] =	ssyncadd.s32 $0xFFFFFB00  }
0x59: {  	[spmem:s18] =	stream.linear.scatter [tilespmem:s31], [sflag:$0x2], $0x500, $0x38;
	[tilespmem:$0x1A4A0] =	vst v63  }
0x5a: {  	_ =	swait.ge [sflag:s30], $0x500  }
0x5b: {  	[sflag:s30] =	ssyncset.done $0x0  }
0x5c: {  	[sflag:s30] =	ssyncadd.s32 $0xFFFFFB00  }
0x5d: {  	[spmem:s19] =	stream.linear.scatter [tilespmem:s31], [sflag:$0x2], $0x500, $0x38;
	[tilespmem:$0x1A4A0] =	vst v63  }
0x5e: {  	_ =	swait.ge [sflag:s30], $0x500  }
0x5f: {  	[sflag:s30] =	ssyncset.done $0x0  }
0x60: {  	[sflag:s30] =	ssyncadd.s32 $0xFFFFFB00  }
0x61: {  	[spmem:s20] =	stream.linear.scatter [tilespmem:s31], [sflag:$0x2], $0x500, $0x38;
	[tilespmem:$0x1A4A0] =	vst v63  }
0x62: {  	_ =	swait.ge [sflag:s30], $0x500  }
0x63: {  	[sflag:s30] =	ssyncset.done $0x0  }
0x64: {  	[sflag:s30] =	ssyncadd.s32 $0xFFFFFB00  }
0x65: {  	[spmem:s21] =	stream.linear.scatter [tilespmem:s31], [sflag:$0x2], $0x500, $0x38;
	[tilespmem:$0x1A4A0] =	vst v63  }
0x66: {  	_ =	swait.ge [sflag:s30], $0x500  }
0x67: {  	[sflag:s30] =	ssyncset.done $0x0  }
0x68: {  	[sflag:s30] =	ssyncadd.s32 $0xFFFFFB00  }
0x69: {  	[spmem:s22] =	stream.linear.scatter [tilespmem:s31], [sflag:$0x2], $0x500, $0x38;
	[tilespmem:$0x1A4A0] =	vst v63  }
0x6a: {  	_ =	swait.ge [sflag:s30], $0x500  }
0x6b: {  	[sflag:s30] =	ssyncset.done $0x0  }
0x6c: {  	[sflag:s30] =	ssyncadd.s32 $0xFFFFFB00  }
0x6d: {  	[spmem:s23] =	stream.linear.scatter [tilespmem:s31], [sflag:$0x2], $0x500, $0x38;
	[tilespmem:$0x1A4A0] =	vst v63  }
0x6e: {  	_ =	swait.ge [sflag:s30], $0x500  }
0x6f: {  	[sflag:s30] =	ssyncset.done $0x0  }
0x70: {  	[sflag:s30] =	ssyncadd.s32 $0xFFFFFB00  }
0x71: {  	[spmem:s24] =	stream.linear.scatter [tilespmem:s31], [sflag:$0x2], $0x500, $0x38;
	[tilespmem:$0x1A4A0] =	vst v63  }
0x72: {  	_ =	swait.ge [sflag:s30], $0x500  }
0x73: {  	[sflag:s30] =	ssyncset.done $0x0  }
0x74: {  	s10 =	simm.s32 $0x40;
	s11 =	simm.s32 $0x0;
	[sflag:s30] =	ssyncadd.s32 $0xFFFFFB00  }
.LBB2_6:
0x75: {  	p0 =	sne.s32 s10, $0x13C0;
	[tilespmem:s11+$0x37A0] =	vst v1;
	s11 =	smov.u32 s10;
	s10 =	sadd.s32 $0x40, s10  }
.Ltmp2:
0x76: {  	(pc) =	sbr.rel @p0 .LBB2_6-.Ltmp2, $2  }
0x77: {  	_ =	sdelay $0x2  }
0x78: {  	s11 =	sshra.s32 s11, $0x2  }
0x79: {  	[tilespmem:s11+$0x37A0] =	vst v1  }
0x7a: {  	s10 =	simm.s32 $0x0;
	s11 =	simm.s32 $0x0;
	[bflag:$0x0] =	sbarrier.arrive $0xFFFF  }
.LBB2_8:
0x7b: {  	s12 =	smul.u32 $0x7D0, s11;
	_ =	sdelay $0x1  }
0x7c: {  	s12 =	sadd.s32 s25, s12  }
0x7d: {  	s12 =	sshrl.u32 s12, $0x3  }
0x7e: {  	s13 =	sadd.s32 s6, s12  }
0x7f: {  	[tilespmem:s10], [sflag:$0x2] =	stream.linear.gather [hbm4b:s13+s10], $0x7D0, $0x38;
	[tilespmem:$0x1A4A0] =	vst v63  }
0x80: {  	_ =	swait.ge [sflag:s30], $0x7D0  }
0x81: {  	[sflag:s30] =	ssyncset.done $0x0  }
0x82: {  	s12 =	sadd.s32 s7, s12;
	[sflag:s30] =	ssyncadd.s32 $0xFFFFF830  }
0x83: {  	[tilespmem:s0], [sflag:$0x2] =	stream.linear.gather [hbm4b:s12+s10], $0x7D0, $0x38;
	[tilespmem:$0x1A4A0] =	vst v63  }
0x84: {  	_ =	swait.ge [sflag:s30], $0x7D0  }
0x85: {  	[sflag:s30] =	ssyncset.done $0x0  }
0x86: {  	s14 =	simm.s32 $0x0;
	[sflag:s30] =	ssyncadd.s32 $0xFFFFF830  }
0x87: {  	[tilespmem:s29], [sflag:$0x1] =	stream.indirect.gather [hbm4b:s5+s1], $0x80, s14, s1, $0xb8;
	[tilespmem:$0x1A4A0] =	vst v63  }
0x88: {  	_ =	swait.ge [sflag:s9], $0x2800  }
0x89: {  	[sflag:s9] =	ssyncset.done $0x0  }
0x8a: {  	s15 =	simm.s32 $0x7D0;
	[sflag:s9] =	ssyncadd.s32 $0xFFFFD800  }
0x8b: {  	[spmem:s2] =	stream.indirect.scatter.add.f32 [tilespmem:s29], [sflag:$0x2], $0x80, s15, s1, $0xb8;
	[tilespmem:$0x1A4A0] =	vst v63  }
0x8c: {  	_ =	swait.ge [sflag:s30], $0x2800  }
0x8d: {  	[sflag:s30] =	ssyncset.done $0x0  }
0x8e: {  	[sflag:s30] =	ssyncadd.s32 $0xFFFFD800  }
0x8f: {  	[spmem:s3] =	stream.indirect.scatter.add.f32 [tilespmem:s31], [sflag:$0x2], $0x10, s15, s1, $0xb8;
	[tilespmem:$0x1A4A0] =	vst v63  }
0x90: {  	_ =	swait.ge [sflag:s30], $0x500  }
0x91: {  	s13 =	simm.s32 $0x280;
	s12 =	simm.s32 $0x140;
	[sflag:s30] =	ssyncset.done $0x0  }
.LBB2_9:
0x92: {  	s14 =	sshra.s32 s12, $0x2  }
0x93: {  	[sflag:s30] =	ssyncadd.s32 $0xFFFFFB00;
	s12 =	smov.u32 s13;
	s15 =	sadd.s32 $0x140, s13  }
0x94: {  	[tilespmem:s29], [sflag:$0x1] =	stream.indirect.gather [hbm4b:s5+s1], $0x80, s14, s1, $0xb8;
	[tilespmem:$0x1A4A0] =	vst v63  }
0x95: {  	p0 =	sne.s32 s13, $0x1E00;
	_ =	swait.ge [sflag:s9], $0x2800  }
0x96: {  	[sflag:s9] =	ssyncset.done $0x0  }
0x97: {  	s13 =	sadd.s32 $0x7D0, s14;
	[sflag:s9] =	ssyncadd.s32 $0xFFFFD800  }
0x98: {  	[spmem:s2] =	stream.indirect.scatter.add.f32 [tilespmem:s29], [sflag:$0x2], $0x80, s13, s1, $0xb8;
	[tilespmem:$0x1A4A0] =	vst v63  }
0x99: {  	_ =	swait.ge [sflag:s30], $0x2800  }
.Ltmp3:
0x9a: {  	[sflag:s30] =	ssyncset.done $0x0;
	(pc) =	sbr.rel @p0 .LBB2_9-.Ltmp3, $4  }
0x9b: {  	[sflag:s30] =	ssyncadd.s32 $0xFFFFD800  }
0x9c: {  	[spmem:s3] =	stream.indirect.scatter.add.f32 [tilespmem:s31], [sflag:$0x2], $0x10, s13, s1, $0xb8;
	[tilespmem:$0x1A4A0] =	vst v63  }
0x9d: {  	_ =	swait.ge [sflag:s30], $0x500  }
0x9e: {  	s13 =	smov.u32 s15;
	[sflag:s30] =	ssyncset.done $0x0  }
0x9f: {  	s12 =	sshra.s32 s12, $0x2;
	[sflag:s30] =	ssyncadd.s32 $0xFFFFFB00  }
0xa0: {  	[tilespmem:s29], [sflag:$0x1] =	stream.indirect.gather [hbm4b:s5+s1], $0x80, s12, s1, $0xb8;
	[tilespmem:$0x1A4A0] =	vst v63  }
0xa1: {  	_ =	swait.ge [sflag:s9], $0x2800  }
0xa2: {  	[sflag:s9] =	ssyncset.done $0x0  }
0xa3: {  	s12 =	sadd.s32 $0x7D0, s12;
	[sflag:s9] =	ssyncadd.s32 $0xFFFFD800  }
0xa4: {  	[spmem:s2] =	stream.indirect.scatter.add.f32 [tilespmem:s29], [sflag:$0x2], $0x80, s12, s1, $0xb8;
	[tilespmem:$0x1A4A0] =	vst v63  }
0xa5: {  	s11 =	sadd.s32 $0x1, s11;
	_ =	swait.ge [sflag:s30], $0x2800  }
0xa6: {  	p0 =	sne.s32 s11, $0x5;
	[sflag:s30] =	ssyncset.done $0x0  }
.Ltmp4:
0xa7: {  	[sflag:s30] =	ssyncadd.s32 $0xFFFFD800;
	(pc) =	sbr.rel @p0 .LBB2_8-.Ltmp4, $4  }
0xa8: {  	[spmem:s3] =	stream.indirect.scatter.add.f32 [tilespmem:s31], [sflag:$0x2], $0x10, s12, s1, $0xb8;
	[tilespmem:$0x1A4A0] =	vst v63  }
0xa9: {  	_ =	swait.ge [sflag:s30], $0x500  }
0xaa: {  	[sflag:s30] =	ssyncset.done $0x0  }
0xab: {  	[sflag:s30] =	ssyncadd.s32 $0xFFFFFB00  }
0xac: {  	s10 =	stileid.u32  }
0xad: {  	s10 =	sshll.u32 s10, $0x6  }
0xae: {  	[bflag:$0x0] =	sbarrier.arrive $0xFFFF;
	s11 =	sshrl.u32 s8, $0x3;
	s10 =	sor.u32 $0x1C02, s10  }
0xaf: {  	[hbm:s26], [sflag:s10] =	dma.local [spmem:s11], $0x2800  }
0xb0: {  	s4 =	sadd.s32 $0x1, s4;
	_ =	swait.ge [sflag:s30], $0x2800  }
0xb1: {  	s15 =	sshrl.u32 s17, $0x3;
	p0 =	sne.s32 s4, s28;
	[sflag:s30] =	ssyncset.done $0x0  }
.Ltmp5:
0xb2: {  	s12 =	rddreg [dreg:$0x9];
	[sflag:s30] =	ssyncadd.s32 $0xFFFFD800;
	(pc) =	sbr.rel @p0 .LBB2_1-.Ltmp5, $4  }
0xb3: {  	[hbm:s12], [sflag:s10] =	dma.local [spmem:s15], $0x500  }
0xb4: {  	_ =	swait.ge [sflag:s30], $0x500  }
0xb5: {  	[sflag:s30] =	ssyncset.done $0x0  }
0xb6: {  	[sflag:s30] =	ssyncadd.s32 $0xFFFFFB00  }
0xb7: {  	_ =	sfence.sel $0x180000  }
0xb8: {  	[bflag:$0x0] =	sbarrier.arrive $0xFFFF  }
0xb9: {  	_ =	strace $0x90000047  }
0xba: {  	s0 =	stileid.u32;
	[bflag:$0x2] =	sbarrier.arrive $0xFFFF  }
0xbb: {  	p0 =	sne.s32 s0, $0x0;
	s0 =	rddreg [dreg:$0x4]  }
0xbc: {  	s0 =	sadd.s32 @!p0 $0x100000, s0  }
0xbd: {  	[sflag:s0] =	ssyncadd.tile.s32 @!p0 $0x1;
	_ =	shalt  }
.Lfunc_end2:
_tile_overlayer_lowered:
.L_overlay_start_2:
0xbe: {  	(tag) =	ssettag $0x2  }
0xbf: {  	s0 =	rddreg [dreg:$0x0];
	s2 =	stileid.u32  }
0xc0: {  	s1 =	rddreg [dreg:$0x1];
	p0 =	sne.s32 s2, $0x0  }
0xc1: {  	s3 =	rddreg [dreg:$0x2];
	[bflag:$0x3] =	sbarrier.arrive $0xFFFF;
	s2 =	simm.s32 @!p0 $0x1C02  }
0xc2: {  	[timem:s3], [sflag:s2] =	dma.local @!p0 [hbm:s0], s1  }
0xc3: {  	s0 =	simm.s32 @!p0 $0x2  }
0xc4: {  	_ =	swait.ge @!p0 [sflag:s0], s1  }
0xc5: {  	s1 =	ssub.s32 @!p0 $0x0, s1;
	[sflag:s0] =	ssyncset.done @!p0 $0x0  }
0xc6: {  	[sflag:s0] =	ssyncadd.s32 @!p0 s1  }
0xc7: {  	[bflag:$0x3] =	sbarrier.arrive $0xFFFF  }
0xc8: {  	_ =	shalt  }

</sc_bundles>
